<compile_context>
chip_gen: v7x
topology: tpu7x:2x2x1
jax: 0.10.2.dev20260603
libtpu: 0.0.44.dev20260713+nightly
codegen_flags: <defaults>
</compile_context>

<pallas_src>
import functools

import jax
import jax.numpy as jnp
from jax import lax
from jax.experimental import pallas as pl
from jax.experimental.pallas import tpu as pltpu
from jax.experimental.pallas import tpu_sc as plsc

_RB = 1024
_PW = 72


def _gru_cell(xpart, h, wi, wh, b):
    gi = jnp.dot(wi, xpart)
    gh = jnp.dot(wh, h)
    i_r, i_z, i_n = jnp.split(gi, 3, axis=0)
    h_r, h_z, h_n = jnp.split(gh, 3, axis=0)
    hh = h.shape[0]
    b_r = b[0 * hh:1 * hh]
    b_z = b[1 * hh:2 * hh]
    b_in = b[2 * hh:3 * hh]
    b_hn = b[3 * hh:4 * hh]
    r = 0.5 * jnp.tanh(i_r + h_r + b_r) + 0.5
    z = 0.5 * jnp.tanh(i_z + h_z + b_z) + 0.5
    n = jnp.tanh((i_n + b_in) + r * (h_n + b_hn))
    return n + z * (h - n)


def _gru_body(xa_ref, xb_ref, xc_ref, xd_ref, xe_ref, xf_ref,
              wi0_ref, wh0_ref, b0_ref,
              wi1_ref, wh1_ref, b1_ref, out_ref, h1_ref, h2_ref):
    t = pl.program_id(0)
    nt = pl.num_programs(0)

    @pl.when(t == 0)
    def _():
        h1_ref[...] = jnp.zeros_like(h1_ref)
        h2_ref[...] = jnp.zeros_like(h2_ref)

    h1 = h1_ref[...]
    h2 = h2_ref[...]
    wi0, wh0, b0 = wi0_ref[...], wh0_ref[...], b0_ref[...]
    wi1, wh1, b1 = wi1_ref[...], wh1_ref[...], b1_ref[...]
    for x_ref in (xa_ref, xb_ref, xc_ref, xd_ref, xe_ref, xf_ref):
        xtt = x_ref[...].reshape(x_ref.shape[1], x_ref.shape[2])
        h1 = _gru_cell(xtt, h1, wi0, wh0, b0)
        h2 = _gru_cell(h1, h2, wi1, wh1, b1)
    h1_ref[...] = h1
    h2_ref[...] = h2

    @pl.when(t == nt - 1)
    def _():
        out_ref[...] = h2.T


def _gru_params(w_ih, w_hh, b_ih, b_hh):
    h = w_hh.shape[1]
    half = jnp.concatenate([jnp.full((2 * h,), 0.5, jnp.float32),
                            jnp.ones((h,), jnp.float32)])
    wi = w_ih * half[:, None]
    wh = w_hh * half[:, None]
    b = jnp.concatenate([0.5 * (b_ih[:2 * h] + b_hh[:2 * h]),
                         b_ih[2 * h:], b_hh[2 * h:]]).reshape(-1, 1)
    return wi, wh, b


def _run_gru(x_input, w_ih0, w_hh0, b_ih0, b_hh0, w_ih1, w_hh1, b_ih1, b_hh1):
    n, t, d = x_input.shape
    h = w_hh0.shape[1]
    xtd = jnp.transpose(x_input.reshape(n, t * d)).reshape(t, d, n)
    wi0, wh0, b0 = _gru_params(w_ih0, w_hh0, b_ih0, b_hh0)
    wi1, wh1, b1 = _gru_params(w_ih1, w_hh1, b_ih1, b_hh1)
    full = lambda shape: pl.BlockSpec(shape, lambda i: (0,) * len(shape))
    iht = pl.pallas_call(
        _gru_body,
        grid=(t // 6,),
        in_specs=[
            pl.BlockSpec((1, d, n), lambda i: (6 * i, 0, 0)),
            pl.BlockSpec((1, d, n), lambda i: (6 * i + 1, 0, 0)),
            pl.BlockSpec((1, d, n), lambda i: (6 * i + 2, 0, 0)),
            pl.BlockSpec((1, d, n), lambda i: (6 * i + 3, 0, 0)),
            pl.BlockSpec((1, d, n), lambda i: (6 * i + 4, 0, 0)),
            pl.BlockSpec((1, d, n), lambda i: (6 * i + 5, 0, 0)),
            full((3 * h, d)), full((3 * h, h)), full((4 * h, 1)),
            full((3 * h, h)), full((3 * h, h)), full((4 * h, 1)),
        ],
        out_specs=pl.BlockSpec((n, h), lambda i: (0, 0)),
        out_shape=jax.ShapeDtypeStruct((n, h), jnp.float32),
        scratch_shapes=[pltpu.VMEM((h, n), jnp.float32),
                        pltpu.VMEM((h, n), jnp.float32)],
    )(xtd, xtd, xtd, xtd, xtd, xtd, wi0, wh0, b0, wi1, wh1, b1)
    return iht


def _sim_body(ihb_ref, ih_ref, col_ref, diag_ref, pay_ref):
    i = pl.program_id(0)
    ihb = ihb_ref[...]
    ih = ih_ref[...]
    n = ih.shape[0]
    rb = ihb.shape[0]

    cnorm = jnp.sqrt(jnp.sum(ih * ih, axis=1, keepdims=True))
    rnorm = jnp.sqrt(jnp.sum(ihb * ihb, axis=1, keepdims=True))
    ihs = ih * (1.0 / (cnorm + 1e-6))
    ihb_s = ihb * (1.0 / rnorm)
    c = lax.dot_general(ihb_s, ihs, (((1,), (1,)), ((), ())))

    diag = rnorm * (1.0 / (rnorm + 1e-6))
    col_ids = lax.broadcasted_iota(jnp.int32, (rb, n), 1)
    row_ids = i * rb + lax.broadcasted_iota(jnp.int32, (rb, 1), 0)
    cmd = jnp.where(col_ids == row_ids, 0.0, c)
    value = jnp.max(cmd, axis=1, keepdims=True)
    col = jnp.min(jnp.where(cmd == value, col_ids, n - 1), axis=1, keepdims=True)

    col_ref[0] = col
    diag_ref[0] = diag
    pay_ref[...] = jnp.concatenate(
        [value * ihb, value, jnp.zeros((rb, _PW - ihb.shape[1] - 1), jnp.float32)],
        axis=1)


def _run_sim(ih):
    n, h = ih.shape
    nb = n // _RB
    return pl.pallas_call(
        _sim_body,
        grid=(nb,),
        in_specs=[
            pl.BlockSpec((_RB, h), lambda i: (i, 0)),
            pl.BlockSpec((n, h), lambda i: (0, 0)),
        ],
        out_specs=[
            pl.BlockSpec((1, _RB, 1), lambda i: (i, 0, 0)),
            pl.BlockSpec((1, _RB, 1), lambda i: (i, 0, 0)),
            pl.BlockSpec((_RB, _PW), lambda i: (i, 0)),
        ],
        out_shape=[
            jax.ShapeDtypeStruct((nb, _RB, 1), jnp.int32),
            jax.ShapeDtypeStruct((nb, _RB, 1), jnp.float32),
            jax.ShapeDtypeStruct((n, _PW), jnp.float32),
        ],
    )(ih, ih)


def _run_scatter(col, payload, zeros):
    n = payload.shape[0]
    mesh = plsc.VectorSubcoreMesh(core_axis_name="c", subcore_axis_name="s")
    info = plsc.get_sparse_core_info()
    nc, ns = info.num_cores, info.num_subcores
    rows_per_tile = n // (nc * ns)
    zrows = n // ns

    @functools.partial(
        pl.kernel, mesh=mesh,
        out_type=jax.ShapeDtypeStruct((nc * n, _PW), jnp.float32),
        scratch_types=[
            pltpu.VMEM_SHARED((n, _PW), jnp.float32),
            pltpu.VMEM((rows_per_tile,), jnp.int32),
            pltpu.VMEM((rows_per_tile, _PW), jnp.float32),
        ],
    )
    def k(col_hbm, pay_hbm, z_hbm, out_hbm, acc, idx_v, pay_v):
        c = lax.axis_index("c")
        s = lax.axis_index("s")
        pltpu.sync_copy(z_hbm.at[pl.ds(s * zrows, zrows)],
                        acc.at[pl.ds(s * zrows, zrows)])
        plsc.subcore_barrier()
        base = (c * ns + s) * rows_per_tile
        pltpu.sync_copy(col_hbm.at[pl.ds(base, rows_per_tile)], idx_v)
        pltpu.sync_copy(pay_hbm.at[pl.ds(base, rows_per_tile)], pay_v)
        pltpu.sync_copy(pay_v, acc.at[idx_v], add=True)
        plsc.subcore_barrier()
        pltpu.sync_copy(acc.at[pl.ds(s * zrows, zrows)],
                        out_hbm.at[pl.ds(c * n + s * zrows, zrows)])

    return k(col, payload, zeros)


def _head_body(acc0_ref, acc1_ref, diag_ref, ihb_ref, ih_ref,
               wo_ref, bo_ref, wf_ref, bf_ref, wb_ref, bb_ref,
               wi_ref, bi_ref, wfin_ref, bfin_ref, out_ref):
    ihb = ihb_ref[...]
    ih = ih_ref[...]
    h = ih.shape[1]
    acc = acc0_ref[...] + acc1_ref[...]
    m2 = acc[:, :h]
    colsum = acc[:, h:h + 1]
    diag = diag_ref[0]
    x = m2 + jnp.where(colsum != 0.0, diag, 0.0) * ihb

    cnorm = jnp.sqrt(jnp.sum(ih * ih, axis=1, keepdims=True))
    xnorm = jnp.sqrt(jnp.sum(x * x, axis=1, keepdims=True))
    ihs = ih * (1.0 / (cnorm + 1e-6))
    xs = x * (1.0 / xnorm)
    c2 = lax.dot_general(xs, ihs, (((1,), (1,)), ((), ())))

    e = jnp.exp(c2)
    agg = lax.dot_general(e, ih, (((1,), (0,)), ((), ())))
    agg = agg * (1.0 / jnp.sum(e, axis=1, keepdims=True))

    output = jnp.dot(agg, wo_ref[...]) + bo_ref[...]
    fore = jax.nn.leaky_relu(jnp.dot(output, wf_ref[...]) + bf_ref[...], 0.01)
    back = jnp.dot(output, wb_ref[...]) + bb_ref[...]
    ind = jax.nn.leaky_relu(jnp.dot(ihb - back, wi_ref[...]) + bi_ref[...], 0.01)
    out_ref[...] = jnp.dot(fore + ind, wfin_ref[...]) + bfin_ref[...]


def _run_head(acc2, diag, ih, W_out, b_out, W_fore, b_fore, W_back, b_back,
              W_ind, b_ind, W_final, b_final):
    n, h = ih.shape
    nb = n // _RB
    full = lambda shape: pl.BlockSpec(shape, lambda i: (0,) * len(shape))
    return pl.pallas_call(
        _head_body,
        grid=(nb,),
        in_specs=[
            pl.BlockSpec((_RB, _PW), lambda i: (i, 0)),
            pl.BlockSpec((_RB, _PW), lambda i: (i + n // _RB, 0)),
            pl.BlockSpec((1, _RB, 1), lambda i: (i, 0, 0)),
            pl.BlockSpec((_RB, h), lambda i: (i, 0)),
            pl.BlockSpec((n, h), lambda i: (0, 0)),
            full((h, h)), full((1, h)), full((h, h)), full((1, h)),
            full((h, h)), full((1, h)), full((h, h)), full((1, h)),
            full((h, 1)), full((1, 1)),
        ],
        out_specs=pl.BlockSpec((_RB, 1), lambda i: (i, 0)),
        out_shape=jax.ShapeDtypeStruct((n, 1), jnp.float32),
    )(acc2, acc2, diag, ih, ih,
      W_out.T, b_out.reshape(1, -1), W_fore.T, b_fore.reshape(1, -1),
      W_back.T, b_back.reshape(1, -1), W_ind.T, b_ind.reshape(1, -1),
      W_final.T, b_final.reshape(1, -1))


def kernel(x_input, w_ih0, w_hh0, b_ih0, b_hh0, w_ih1, w_hh1, b_ih1, b_hh1,
           W_out, b_out, W_fore, b_fore, W_back, b_back, W_ind, b_ind,
           W_final, b_final):
    n = x_input.shape[0]
    ih = _run_gru(x_input, w_ih0, w_hh0, b_ih0, b_hh0,
                  w_ih1, w_hh1, b_ih1, b_hh1)
    col3, diag3, payload = _run_sim(ih)
    zeros = jnp.zeros((n, _PW), jnp.float32)
    acc2 = _run_scatter(col3.reshape(n), payload, zeros)
    return _run_head(acc2, diag3, ih, W_out, b_out, W_fore, b_fore,
                     W_back, b_back, W_ind, b_ind, W_final, b_final)

# --- scband reference (transcript-rebuilt; emitter-appended) ---
"""Pipeline reference for scband-hist-20091857011544 (READ-ONLY COPY).

The authoritative reference and input builder live on the scoring server;
editing this copy changes nothing except your own understanding.
"""

import jax, jax.numpy as jnp
import numpy as np

N, T, D, H = 4096, 60, 6, 64


def setup_inputs(seed: int = 0) -> dict:
    key = jax.random.key(seed)
    ks = jax.random.split(key, 20)
    def p(k, shape):
        return jax.random.normal(k, shape, dtype=jnp.float32) * 0.05
    inp = {}
    inp['x_input'] = jax.random.normal(ks[0], (N, T, D), dtype=jnp.float32)
    # GRU layer 0 (input D -> H)
    inp['w_ih0'] = p(ks[1], (3 * H, D))
    inp['w_hh0'] = p(ks[2], (3 * H, H))
    inp['b_ih0'] = p(ks[3], (3 * H,))
    inp['b_hh0'] = p(ks[4], (3 * H,))
    # GRU layer 1 (H -> H)
    inp['w_ih1'] = p(ks[5], (3 * H, H))
    inp['w_hh1'] = p(ks[6], (3 * H, H))
    inp['b_ih1'] = p(ks[7], (3 * H,))
    inp['b_hh1'] = p(ks[8], (3 * H,))
    # Linear heads
    inp['W_out'] = p(ks[9], (H, H));   inp['b_out'] = p(ks[10], (H,))
    inp['W_fore'] = p(ks[11], (H, H)); inp['b_fore'] = p(ks[12], (H,))
    inp['W_back'] = p(ks[13], (H, H)); inp['b_back'] = p(ks[14], (H,))
    inp['W_ind'] = p(ks[15], (H, H));  inp['b_ind'] = p(ks[16], (H,))
    inp['W_final'] = p(ks[17], (1, H)); inp['b_final'] = p(ks[18], (1,))
    return inp


def _gru_layer(x, w_ih, w_hh, b_ih, b_hh):
    Hh = w_hh.shape[1]
    def step(h, xt):
        gi = xt @ w_ih.T + b_ih
        gh = h @ w_hh.T + b_hh
        i_r, i_z, i_n = jnp.split(gi, 3, axis=-1)
        h_r, h_z, h_n = jnp.split(gh, 3, axis=-1)
        r = jax.nn.sigmoid(i_r + h_r)
        z = jax.nn.sigmoid(i_z + h_z)
        n = jnp.tanh(i_n + r * h_n)
        h_new = (1.0 - z) * n + z * h
        return h_new, h_new
    h0 = jnp.zeros((x.shape[0], Hh), dtype=x.dtype)
    _, hs = jax.lax.scan(step, h0, jnp.swapaxes(x, 0, 1))
    return jnp.swapaxes(hs, 0, 1)


def cal_cos_similarity(x_in, y_in):
    x_norm = jnp.sqrt(jnp.sum(x_in ** 2, axis=1))
    y_norm = jnp.sqrt(jnp.sum(y_in ** 2, axis=1))
    return (x_in @ y_in.T) / (x_norm[:, None] @ (y_norm[None, :] + 1e-06))


def reference(x_input, w_ih0, w_hh0, b_ih0, b_hh0, w_ih1, w_hh1, b_ih1, b_hh1,
              W_out, b_out, W_fore, b_fore, W_back, b_back, W_ind, b_ind, W_final, b_final):
    h1 = _gru_layer(x_input, w_ih0, w_hh0, b_ih0, b_hh0)
    h2 = _gru_layer(h1, w_ih1, w_hh1, b_ih1, b_hh1)
    input_hidden = h2[:, -1, :]
    cos_mat = cal_cos_similarity(input_hidden, input_hidden)
    dim = cos_mat.shape[0]
    diag = jnp.diag(cos_mat)
    cmd = cos_mat * (jnp.ones((dim, dim), dtype=cos_mat.dtype) - jnp.eye(dim, dtype=cos_mat.dtype))
    row = jnp.arange(dim)
    column = jnp.argmax(cmd, axis=1)
    value = jnp.max(cmd, axis=1)
    # torch: set (row,col)=100, zero everything !=100, then restore value -> keep only per-row max
    cos_mat1 = jnp.zeros((dim, dim), dtype=cos_mat.dtype).at[row, column].set(value)
    cos_mat1 = cos_mat1 + jnp.diag((jnp.sum(cos_mat1, axis=0) != 0).astype(jnp.float32) * diag)
    cos_mat2 = cos_mat1.T @ input_hidden
    cos_mat_new = cal_cos_similarity(cos_mat2, input_hidden)
    cos_mat_new = jax.nn.softmax(cos_mat_new, axis=1)
    output = cos_mat_new @ input_hidden
    output = output @ W_out.T + b_out
    output_fore = jax.nn.leaky_relu(output @ W_fore.T + b_fore, negative_slope=0.01)
    output_back = output @ W_back.T + b_back
    individual_in = input_hidden - output_back
    individual_out = jax.nn.leaky_relu(individual_in @ W_ind.T + b_ind, negative_slope=0.01)
    final_out = output_fore + individual_out
    pred = final_out @ W_final.T + b_final
    return pred

if __name__ == "__main__":
    import jax
    _d = setup_inputs()
    print(jax.jit(kernel)(*tuple(_d.values())))

</pallas_src>

<mosaic_0001>
#map = affine_map<(d0, d1) -> (0)>
#map1 = affine_map<(d0, d1) -> (0, 0)>
module attributes {stable_mosaic.version = 14 : i64} {
  func.func @k(%arg0: i32, %arg1: i32, %arg2: memref<4096xi32, #tpu.memory_space<hbm>>, %arg3: memref<4096x72xf32, #tpu.memory_space<hbm>>, %arg4: memref<4096x72xf32, #tpu.memory_space<hbm>>, %arg5: memref<8192x72xf32, #tpu.memory_space<hbm>>, %arg6: memref<4096x72xf32, #tpu.memory_space<vmem_shared>>, %arg7: memref<128xi32, #tpu.memory_space<vmem>>, %arg8: memref<128x72xf32, #tpu.memory_space<vmem>>) attributes {dimension_semantics = [#tpu.dimension_semantics<core_parallel>, #tpu.dimension_semantics<subcore_parallel>], iteration_bounds = array<i64: 2, 16>, scalar_prefetch = 0 : i64, scratch_operands = 3 : i64, tpu.core_type = #tpu.core_type<sc_vector_subcore>, window_params = [{transform_indices = #map}, {transform_indices = #map1}, {transform_indices = #map1}, {transform_indices = #map1}]} {
    %mul3A = arith.constant 256 : i32
    %mul3A_0 = arith.muli %arg1, %mul3A : i32
    %mul3A_1 = arith.constant 256 : i32
    %mul3A_2 = arith.muli %arg1, %mul3A_1 : i32
    "tpu.region"() ({
      %run_scoped3A = tpu.sem_alloc : memref<!tpu.dma_semaphore, #tpu.memory_space<semaphore_mem>>
      %dma_start3A = arith.constant 0 : i32
      %dma_start3A_15 = tpu.memref_slice %arg6[%mul3A_2, %dma_start3A] : memref<4096x72xf32, #tpu.memory_space<vmem_shared>> -> memref<256x72xf32, #tpu.memory_space<vmem_shared>>
      %dma_start3A_16 = arith.constant 0 : i32
      %dma_start3A_17 = tpu.memref_slice %arg4[%mul3A_0, %dma_start3A_16] : memref<4096x72xf32, #tpu.memory_space<hbm>> -> memref<256x72xf32, #tpu.memory_space<hbm>>
      tpu.enqueue_dma source(%dma_start3A_17 : memref<256x72xf32, #tpu.memory_space<hbm>>) target(%dma_start3A_15 : memref<256x72xf32, #tpu.memory_space<vmem_shared>>) target_semaphore(%run_scoped3A : memref<!tpu.dma_semaphore, #tpu.memory_space<semaphore_mem>>)
      %dma_wait3A = arith.constant 0 : i32
      %dma_wait3A_18 = tpu.memref_slice %arg6[%mul3A_2, %dma_wait3A] : memref<4096x72xf32, #tpu.memory_space<vmem_shared>> -> memref<256x72xf32, #tpu.memory_space<vmem_shared>>
      %dma_wait3A_19 = arith.constant 0 : i32
      %dma_wait3A_20 = tpu.memref_slice %arg4[%mul3A_0, %dma_wait3A_19] : memref<4096x72xf32, #tpu.memory_space<hbm>> -> memref<256x72xf32, #tpu.memory_space<hbm>>
      tpu.wait_dma2 semaphore(%run_scoped3A : memref<!tpu.dma_semaphore, #tpu.memory_space<semaphore_mem>>) src(%dma_wait3A_20 : memref<256x72xf32, #tpu.memory_space<hbm>>) dst(%dma_wait3A_18 : memref<256x72xf32, #tpu.memory_space<vmem_shared>>)
      tpu.yield
    }) : () -> ()
    %barrier3A = arith.constant 0 : index
    tpu.barrier barrier_id(%barrier3A)
    %mul3A_3 = arith.constant 16 : i32
    %mul3A_4 = arith.muli %arg0, %mul3A_3 : i32
    %add3A = arith.addi %mul3A_4, %arg1 : i32
    %mul3A_5 = arith.constant 128 : i32
    %mul3A_6 = arith.muli %add3A, %mul3A_5 : i32
    "tpu.region"() ({
      %run_scoped3A = tpu.sem_alloc : memref<!tpu.dma_semaphore, #tpu.memory_space<semaphore_mem>>
      %dma_start3A = tpu.memref_slice %arg2[%mul3A_6] : memref<4096xi32, #tpu.memory_space<hbm>> -> memref<128xi32, #tpu.memory_space<hbm>>
      %dma_start3A_15 = tpu.memref_slice %arg2[%mul3A_6] : memref<4096xi32, #tpu.memory_space<hbm>> -> memref<128xi32, #tpu.memory_space<hbm>>
      tpu.enqueue_dma source(%dma_start3A_15 : memref<128xi32, #tpu.memory_space<hbm>>) target(%arg7 : memref<128xi32, #tpu.memory_space<vmem>>) target_semaphore(%run_scoped3A : memref<!tpu.dma_semaphore, #tpu.memory_space<semaphore_mem>>)
      %dma_wait3A = tpu.memref_slice %arg2[%mul3A_6] : memref<4096xi32, #tpu.memory_space<hbm>> -> memref<128xi32, #tpu.memory_space<hbm>>
      %dma_wait3A_16 = tpu.memref_slice %arg2[%mul3A_6] : memref<4096xi32, #tpu.memory_space<hbm>> -> memref<128xi32, #tpu.memory_space<hbm>>
      tpu.wait_dma2 semaphore(%run_scoped3A : memref<!tpu.dma_semaphore, #tpu.memory_space<semaphore_mem>>) src(%dma_wait3A_16 : memref<128xi32, #tpu.memory_space<hbm>>) dst(%arg7 : memref<128xi32, #tpu.memory_space<vmem>>)
      tpu.yield
    }) : () -> ()
    "tpu.region"() ({
      %run_scoped3A = tpu.sem_alloc : memref<!tpu.dma_semaphore, #tpu.memory_space<semaphore_mem>>
      %dma_start3A = arith.constant 0 : i32
      %dma_start3A_15 = tpu.memref_slice %arg3[%mul3A_6, %dma_start3A] : memref<4096x72xf32, #tpu.memory_space<hbm>> -> memref<128x72xf32, #tpu.memory_space<hbm>>
      %dma_start3A_16 = arith.constant 0 : i32
      %dma_start3A_17 = tpu.memref_slice %arg3[%mul3A_6, %dma_start3A_16] : memref<4096x72xf32, #tpu.memory_space<hbm>> -> memref<128x72xf32, #tpu.memory_space<hbm>>
      tpu.enqueue_dma source(%dma_start3A_17 : memref<128x72xf32, #tpu.memory_space<hbm>>) target(%arg8 : memref<128x72xf32, #tpu.memory_space<vmem>>) target_semaphore(%run_scoped3A : memref<!tpu.dma_semaphore, #tpu.memory_space<semaphore_mem>>)
      %dma_wait3A = arith.constant 0 : i32
      %dma_wait3A_18 = tpu.memref_slice %arg3[%mul3A_6, %dma_wait3A] : memref<4096x72xf32, #tpu.memory_space<hbm>> -> memref<128x72xf32, #tpu.memory_space<hbm>>
      %dma_wait3A_19 = arith.constant 0 : i32
      %dma_wait3A_20 = tpu.memref_slice %arg3[%mul3A_6, %dma_wait3A_19] : memref<4096x72xf32, #tpu.memory_space<hbm>> -> memref<128x72xf32, #tpu.memory_space<hbm>>
      tpu.wait_dma2 semaphore(%run_scoped3A : memref<!tpu.dma_semaphore, #tpu.memory_space<semaphore_mem>>) src(%dma_wait3A_20 : memref<128x72xf32, #tpu.memory_space<hbm>>) dst(%arg8 : memref<128x72xf32, #tpu.memory_space<vmem>>)
      tpu.yield
    }) : () -> ()
    "tpu.region"() ({
      %run_scoped3A = tpu.sem_alloc : memref<!tpu.dma_semaphore, #tpu.memory_space<semaphore_mem>>
      %dma_start3A = arith.constant 0 : i32
      %dma_start3A_15 = arith.constant 0 : i32
      %dma_start3A_16 = tpu.memref_slice %arg6[%dma_start3A, %dma_start3A_15] : memref<4096x72xf32, #tpu.memory_space<vmem_shared>> -> memref<4096x72xf32, #tpu.memory_space<vmem_shared>>
      tpu.enqueue_indirect_dma source(%arg8 : memref<128x72xf32, #tpu.memory_space<vmem>>) target(%dma_start3A_16 : memref<4096x72xf32, #tpu.memory_space<vmem_shared>>) offsets(%arg7 : memref<128xi32, #tpu.memory_space<vmem>>) semaphore(%run_scoped3A : memref<!tpu.dma_semaphore, #tpu.memory_space<semaphore_mem>>) {add = true}
      %dma_wait3A = arith.constant 0 : i32
      %dma_wait3A_17 = arith.constant 0 : i32
      %dma_wait3A_18 = tpu.memref_slice %arg6[%dma_wait3A, %dma_wait3A_17] : memref<4096x72xf32, #tpu.memory_space<vmem_shared>> -> memref<4096x72xf32, #tpu.memory_space<vmem_shared>>
      tpu.wait_indirect_dma semaphore(%run_scoped3A : memref<!tpu.dma_semaphore, #tpu.memory_space<semaphore_mem>>) src(%arg8 : memref<128x72xf32, #tpu.memory_space<vmem>>) dst(%dma_wait3A_18 : memref<4096x72xf32, #tpu.memory_space<vmem_shared>>)
      tpu.yield
    }) : () -> ()
    %barrier3A_7 = arith.constant 0 : index
    tpu.barrier barrier_id(%barrier3A_7)
    %mul3A_8 = arith.constant 256 : i32
    %mul3A_9 = arith.muli %arg1, %mul3A_8 : i32
    %mul3A_10 = arith.constant 4096 : i32
    %mul3A_11 = arith.muli %arg0, %mul3A_10 : i32
    %mul3A_12 = arith.constant 256 : i32
    %mul3A_13 = arith.muli %arg1, %mul3A_12 : i32
    %add3A_14 = arith.addi %mul3A_11, %mul3A_13 : i32
    "tpu.region"() ({
      %run_scoped3A = tpu.sem_alloc : memref<!tpu.dma_semaphore, #tpu.memory_space<semaphore_mem>>
      %dma_start3A = arith.constant 0 : i32
      %dma_start3A_15 = tpu.memref_slice %arg5[%add3A_14, %dma_start3A] : memref<8192x72xf32, #tpu.memory_space<hbm>> -> memref<256x72xf32, #tpu.memory_space<hbm>>
      %dma_start3A_16 = arith.constant 0 : i32
      %dma_start3A_17 = tpu.memref_slice %arg6[%mul3A_9, %dma_start3A_16] : memref<4096x72xf32, #tpu.memory_space<vmem_shared>> -> memref<256x72xf32, #tpu.memory_space<vmem_shared>>
      tpu.enqueue_dma source(%dma_start3A_17 : memref<256x72xf32, #tpu.memory_space<vmem_shared>>) target(%dma_start3A_15 : memref<256x72xf32, #tpu.memory_space<hbm>>) target_semaphore(%run_scoped3A : memref<!tpu.dma_semaphore, #tpu.memory_space<semaphore_mem>>)
      %dma_wait3A = arith.constant 0 : i32
      %dma_wait3A_18 = tpu.memref_slice %arg5[%add3A_14, %dma_wait3A] : memref<8192x72xf32, #tpu.memory_space<hbm>> -> memref<256x72xf32, #tpu.memory_space<hbm>>
      %dma_wait3A_19 = arith.constant 0 : i32
      %dma_wait3A_20 = tpu.memref_slice %arg6[%mul3A_9, %dma_wait3A_19] : memref<4096x72xf32, #tpu.memory_space<vmem_shared>> -> memref<256x72xf32, #tpu.memory_space<vmem_shared>>
      tpu.wait_dma2 semaphore(%run_scoped3A : memref<!tpu.dma_semaphore, #tpu.memory_space<semaphore_mem>>) src(%dma_wait3A_20 : memref<256x72xf32, #tpu.memory_space<vmem_shared>>) dst(%dma_wait3A_18 : memref<256x72xf32, #tpu.memory_space<hbm>>)
      tpu.yield
    }) : () -> ()
    return
  }
}

module attributes {stable_mosaic.version = 14 : i64} {
  func.func @_sim_body(%arg0: i32, %arg1: memref<1024x64xf32, #tpu.memory_space<vmem>>, %arg2: memref<4096x64xf32, #tpu.memory_space<vmem>>, %arg3: memref<1x1024x1xi32, #tpu.memory_space<vmem>>, %arg4: memref<1x1024x1xf32, #tpu.memory_space<vmem>>, %arg5: memref<1024x72xf32, #tpu.memory_space<vmem>>) attributes {dimension_semantics = [#tpu.dimension_semantics<arbitrary>], iteration_bounds = array<i64: 4>, scalar_prefetch = 0 : i64, scratch_operands = 0 : i64, tpu.core_type = #tpu.core_type<tc>, window_params = [{transform_indices = @transform_0, window_bounds = array<i64: 1024, 64>}, {pipeline_mode = #tpu.pipeline_mode<synchronous>, transform_indices = @transform_1, window_bounds = array<i64: 4096, 64>}, {transform_indices = @transform_2, window_bounds = array<i64: 1, 1024, 1>}, {transform_indices = @transform_3, window_bounds = array<i64: 1, 1024, 1>}, {transform_indices = @transform_4, window_bounds = array<i64: 1024, 72>}]} {
    %get3A = arith.constant 0 : index
    %get3A_0 = arith.constant 0 : index
    %get3A_1 = vector.load %arg1[%get3A, %get3A_0] : memref<1024x64xf32, #tpu.memory_space<vmem>>, vector<1024x64xf32>
    %get3A_2 = arith.constant 0 : index
    %get3A_3 = arith.constant 0 : index
    %get3A_4 = vector.load %arg2[%get3A_2, %get3A_3] : memref<4096x64xf32, #tpu.memory_space<vmem>>, vector<4096x64xf32>
    %mul3A = arith.mulf %get3A_4, %get3A_4 : vector<4096x64xf32>
    %reduce_sum3A = arith.constant dense<0.000000e+00> : vector<4096xf32>
    %reduce_sum3A_5 = vector.multi_reduction <add>, %mul3A, %reduce_sum3A [1] : vector<4096x64xf32> to vector<4096xf32>
    %broadcast_in_dim3A = vector.shape_cast %reduce_sum3A_5 : vector<4096xf32> to vector<4096x1xf32>
    %sqrt3A = math.sqrt %broadcast_in_dim3A : vector<4096x1xf32>
    %mul3A_6 = arith.mulf %get3A_1, %get3A_1 : vector<1024x64xf32>
    %reduce_sum3A_7 = arith.constant dense<0.000000e+00> : vector<1024xf32>
    %reduce_sum3A_8 = vector.multi_reduction <add>, %mul3A_6, %reduce_sum3A_7 [1] : vector<1024x64xf32> to vector<1024xf32>
    %broadcast_in_dim3A_9 = vector.shape_cast %reduce_sum3A_8 : vector<1024xf32> to vector<1024x1xf32>
    %sqrt3A_10 = math.sqrt %broadcast_in_dim3A_9 : vector<1024x1xf32>
    %add3A = arith.constant 9.99999997E-7 : f32
    %add3A_11 = vector.broadcast %add3A : f32 to vector<4096x1xf32>
    %add3A_12 = arith.addf %sqrt3A, %add3A_11 : vector<4096x1xf32>
    %div3A = arith.constant 1.000000e+00 : f32
    %div3A_13 = vector.broadcast %div3A : f32 to vector<4096x1xf32>
    %div3A_14 = arith.divf %div3A_13, %add3A_12 : vector<4096x1xf32>
    %mul3A_15 = vector.broadcast %div3A_14 : vector<4096x1xf32> to vector<4096x64xf32>
    %mul3A_16 = arith.mulf %get3A_4, %mul3A_15 : vector<4096x64xf32>
    %div3A_17 = arith.constant 1.000000e+00 : f32
    %div3A_18 = vector.broadcast %div3A_17 : f32 to vector<1024x1xf32>
    %div3A_19 = arith.divf %div3A_18, %sqrt3A_10 : vector<1024x1xf32>
    %mul3A_20 = vector.broadcast %div3A_19 : vector<1024x1xf32> to vector<1024x64xf32>
    %mul3A_21 = arith.mulf %get3A_1, %mul3A_20 : vector<1024x64xf32>
    %dot_general3A = arith.constant dense<0.000000e+00> : vector<1024x4096xf32>
    %dot_general3A_22 = tpu.matmul %mul3A_21, %mul3A_16, %dot_general3A {dimension_numbers = #tpu.dot_dimension_numbers<[1], [1], [0], [0], [0, 0, 1, 0], [], []>, transpose_lhs_hint = false} : vector<1024x64xf32>, vector<4096x64xf32>, vector<1024x4096xf32> -> vector<1024x4096xf32>
    %add3A_23 = arith.constant 9.99999997E-7 : f32
    %add3A_24 = vector.broadcast %add3A_23 : f32 to vector<1024x1xf32>
    %add3A_25 = arith.addf %sqrt3A_10, %add3A_24 : vector<1024x1xf32>
    %div3A_26 = arith.constant 1.000000e+00 : f32
    %div3A_27 = vector.broadcast %div3A_26 : f32 to vector<1024x1xf32>
    %div3A_28 = arith.divf %div3A_27, %add3A_25 : vector<1024x1xf32>
    %mul3A_29 = arith.mulf %sqrt3A_10, %div3A_28 : vector<1024x1xf32>
    %iota3A = tpu.iota {dimensions = array<i32: 1>} : vector<1024x4096xi32>
    %mul3A_30 = arith.constant 1024 : i32
    %mul3A_31 = arith.muli %arg0, %mul3A_30 : i32
    %iota3A_32 = tpu.iota {dimensions = array<i32: 0>} : vector<1024x1xi32>
    %add3A_33 = vector.broadcast %mul3A_31 : i32 to vector<1024x1xi32>
    %add3A_34 = arith.addi %add3A_33, %iota3A_32 : vector<1024x1xi32>
    %eq3A = vector.broadcast %add3A_34 : vector<1024x1xi32> to vector<1024x4096xi32>
    %eq3A_35 = arith.cmpi eq, %iota3A, %eq3A : vector<1024x4096xi32>
    %jit3A = arith.constant 0.000000e+00 : f32
    %broadcast_in_dim3A_36 = vector.broadcast %jit3A : f32 to vector<1024x4096xf32>
    %select_n3A = arith.select %eq3A_35, %broadcast_in_dim3A_36, %dot_general3A_22 : vector<1024x4096xi1>, vector<1024x4096xf32>
    %reduce_max3A = arith.constant dense<0xFF800000> : vector<1024xf32>
    %reduce_max3A_37 = vector.multi_reduction <maximumf>, %select_n3A, %reduce_max3A [1] : vector<1024x4096xf32> to vector<1024xf32>
    %broadcast_in_dim3A_38 = vector.shape_cast %reduce_max3A_37 : vector<1024xf32> to vector<1024x1xf32>
    %eq3A_39 = vector.broadcast %broadcast_in_dim3A_38 : vector<1024x1xf32> to vector<1024x4096xf32>
    %eq3A_40 = arith.cmpf oeq, %select_n3A, %eq3A_39 : vector<1024x4096xf32>
    %jit3A_41 = arith.constant 4095 : i32
    %broadcast_in_dim3A_42 = vector.broadcast %jit3A_41 : i32 to vector<1024x4096xi32>
    %select_n3A_43 = arith.select %eq3A_40, %iota3A, %broadcast_in_dim3A_42 : vector<1024x4096xi1>, vector<1024x4096xi32>
    %reduce_min3A = arith.constant dense<2147483647> : vector<1024xi32>
    %reduce_min3A_44 = vector.multi_reduction <minsi>, %select_n3A_43, %reduce_min3A [1] : vector<1024x4096xi32> to vector<1024xi32>
    %broadcast_in_dim3A_45 = vector.shape_cast %reduce_min3A_44 : vector<1024xi32> to vector<1024x1xi32>
    %swap3A = arith.constant 0 : index
    %swap3A_46 = arith.constant 0 : index
    %swap3A_47 = arith.constant 0 : index
    %swap3A_48 = vector.load %arg3[%swap3A, %swap3A_46, %swap3A_47] : memref<1x1024x1xi32, #tpu.memory_space<vmem>>, vector<1x1024x1xi32>
    %swap3A_49 = vector.shape_cast %swap3A_48 : vector<1x1024x1xi32> to vector<1024x1xi32>
    %swap3A_50 = vector.shape_cast %broadcast_in_dim3A_45 : vector<1024x1xi32> to vector<1x1024x1xi32>
    tpu.vector_store %arg3[%swap3A, %swap3A_46, %swap3A_47], %swap3A_50 {strides = array<i32>} : memref<1x1024x1xi32, #tpu.memory_space<vmem>>, vector<1x1024x1xi32>,
    %swap3A_51 = arith.constant 0 : index
    %swap3A_52 = arith.constant 0 : index
    %swap3A_53 = arith.constant 0 : index
    %swap3A_54 = vector.load %arg4[%swap3A_51, %swap3A_52, %swap3A_53] : memref<1x1024x1xf32, #tpu.memory_space<vmem>>, vector<1x1024x1xf32>
    %swap3A_55 = vector.shape_cast %swap3A_54 : vector<1x1024x1xf32> to vector<1024x1xf32>
    %swap3A_56 = vector.shape_cast %mul3A_29 : vector<1024x1xf32> to vector<1x1024x1xf32>
    tpu.vector_store %arg4[%swap3A_51, %swap3A_52, %swap3A_53], %swap3A_56 {strides = array<i32>} : memref<1x1024x1xf32, #tpu.memory_space<vmem>>, vector<1x1024x1xf32>,
    %mul3A_57 = vector.broadcast %broadcast_in_dim3A_38 : vector<1024x1xf32> to vector<1024x64xf32>
    %mul3A_58 = arith.mulf %mul3A_57, %get3A_1 : vector<1024x64xf32>
    %broadcast_in_dim3A_59 = arith.constant 0.000000e+00 : f32
    %broadcast_in_dim3A_60 = vector.broadcast %broadcast_in_dim3A_59 : f32 to vector<1024x7xf32>
    %concatenate3A = tpu.concatenate %mul3A_58, %broadcast_in_dim3A_38, %broadcast_in_dim3A_60 in 1 : vector<1024x64xf32>, vector<1024x1xf32>, vector<1024x7xf32> -> vector<1024x72xf32>
    %swap3A_61 = arith.constant 0 : index
    %swap3A_62 = arith.constant 0 : index
    %swap3A_63 = vector.load %arg5[%swap3A_61, %swap3A_62] : memref<1024x72xf32, #tpu.memory_space<vmem>>, vector<1024x72xf32>
    tpu.vector_store %arg5[%swap3A_61, %swap3A_62], %concatenate3A {strides = array<i32>} : memref<1024x72xf32, #tpu.memory_space<vmem>>, vector<1024x72xf32>,
    return
  }
  func.func @transform_0(%arg0: i32) -> (i32, i32) {
    %c0_i32 = arith.constant 0 : i32
    %c0_i32_0 = arith.constant 0 : i32
    return %arg0, %c0_i32 : i32, i32
  }
  func.func @transform_1(%arg0: i32) -> (i32, i32) {
    %c0_i32 = arith.constant 0 : i32
    %c0_i32_0 = arith.constant 0 : i32
    %c0_i32_1 = arith.constant 0 : i32
    return %c0_i32, %c0_i32_0 : i32, i32
  }
  func.func @transform_2(%arg0: i32) -> (i32, i32, i32) {
    %c0_i32 = arith.constant 0 : i32
    %c0_i32_0 = arith.constant 0 : i32
    %c0_i32_1 = arith.constant 0 : i32
    return %arg0, %c0_i32, %c0_i32_0 : i32, i32, i32
  }
  func.func @transform_3(%arg0: i32) -> (i32, i32, i32) {
    %c0_i32 = arith.constant 0 : i32
    %c0_i32_0 = arith.constant 0 : i32
    %c0_i32_1 = arith.constant 0 : i32
    return %arg0, %c0_i32, %c0_i32_0 : i32, i32, i32
  }
  func.func @transform_4(%arg0: i32) -> (i32, i32) {
    %c0_i32 = arith.constant 0 : i32
    %c0_i32_0 = arith.constant 0 : i32
    return %arg0, %c0_i32 : i32, i32
  }
}

module attributes {stable_mosaic.version = 14 : i64} {
  func.func @_gru_body(%arg0: i32, %arg1: memref<1x6x4096xf32, #tpu.memory_space<vmem>>, %arg2: memref<1x6x4096xf32, #tpu.memory_space<vmem>>, %arg3: memref<1x6x4096xf32, #tpu.memory_space<vmem>>, %arg4: memref<1x6x4096xf32, #tpu.memory_space<vmem>>, %arg5: memref<1x6x4096xf32, #tpu.memory_space<vmem>>, %arg6: memref<1x6x4096xf32, #tpu.memory_space<vmem>>, %arg7: memref<192x6xf32, #tpu.memory_space<vmem>>, %arg8: memref<192x64xf32, #tpu.memory_space<vmem>>, %arg9: memref<256x1xf32, #tpu.memory_space<vmem>>, %arg10: memref<192x64xf32, #tpu.memory_space<vmem>>, %arg11: memref<192x64xf32, #tpu.memory_space<vmem>>, %arg12: memref<256x1xf32, #tpu.memory_space<vmem>>, %arg13: memref<4096x64xf32, #tpu.memory_space<vmem>>, %arg14: memref<64x4096xf32, #tpu.memory_space<vmem>>, %arg15: memref<64x4096xf32, #tpu.memory_space<vmem>>) attributes {dimension_semantics = [#tpu.dimension_semantics<arbitrary>], iteration_bounds = array<i64: 10>, scalar_prefetch = 0 : i64, scratch_operands = 2 : i64, tpu.core_type = #tpu.core_type<tc>, window_params = [{transform_indices = @transform_0, window_bounds = array<i64: 1, 6, 4096>}, {transform_indices = @transform_1, window_bounds = array<i64: 1, 6, 4096>}, {transform_indices = @transform_2, window_bounds = array<i64: 1, 6, 4096>}, {transform_indices = @transform_3, window_bounds = array<i64: 1, 6, 4096>}, {transform_indices = @transform_4, window_bounds = array<i64: 1, 6, 4096>}, {transform_indices = @transform_5, window_bounds = array<i64: 1, 6, 4096>}, {pipeline_mode = #tpu.pipeline_mode<synchronous>, transform_indices = @transform_6, window_bounds = array<i64: 192, 6>}, {pipeline_mode = #tpu.pipeline_mode<synchronous>, transform_indices = @transform_7, window_bounds = array<i64: 192, 64>}, {pipeline_mode = #tpu.pipeline_mode<synchronous>, transform_indices = @transform_8, window_bounds = array<i64: 256, 1>}, {pipeline_mode = #tpu.pipeline_mode<synchronous>, transform_indices = @transform_9, window_bounds = array<i64: 192, 64>}, {pipeline_mode = #tpu.pipeline_mode<synchronous>, transform_indices = @transform_10, window_bounds = array<i64: 192, 64>}, {pipeline_mode = #tpu.pipeline_mode<synchronous>, transform_indices = @transform_11, window_bounds = array<i64: 256, 1>}, {pipeline_mode = #tpu.pipeline_mode<synchronous>, transform_indices = @transform_12, window_bounds = array<i64: 4096, 64>}]} {
    %eq3A = arith.constant 0 : i32
    %eq3A_0 = arith.cmpi eq, %arg0, %eq3A : i32
    %convert_element_type3A = arith.extui %eq3A_0 : i1 to i32
    %cond3A = arith.constant 0 : i32
    %cond3A_1 = arith.cmpi ne, %convert_element_type3A, %cond3A : i32
    scf.if %cond3A_1 {
      %broadcast_in_dim3A = arith.constant 0.000000e+00 : f32
      %broadcast_in_dim3A_585 = vector.broadcast %broadcast_in_dim3A : f32 to vector<64x4096xf32>
      %swap3A_586 = arith.constant 0 : index
      %swap3A_587 = arith.constant 0 : index
      %swap3A_588 = vector.load %arg14[%swap3A_586, %swap3A_587] : memref<64x4096xf32, #tpu.memory_space<vmem>>, vector<64x4096xf32>
      tpu.vector_store %arg14[%swap3A_586, %swap3A_587], %broadcast_in_dim3A_585 {strides = array<i32>} : memref<64x4096xf32, #tpu.memory_space<vmem>>, vector<64x4096xf32>,
      %broadcast_in_dim3A_589 = arith.constant 0.000000e+00 : f32
      %broadcast_in_dim3A_590 = vector.broadcast %broadcast_in_dim3A_589 : f32 to vector<64x4096xf32>
      %swap3A_591 = arith.constant 0 : index
      %swap3A_592 = arith.constant 0 : index
      %swap3A_593 = vector.load %arg15[%swap3A_591, %swap3A_592] : memref<64x4096xf32, #tpu.memory_space<vmem>>, vector<64x4096xf32>
      tpu.vector_store %arg15[%swap3A_591, %swap3A_592], %broadcast_in_dim3A_590 {strides = array<i32>} : memref<64x4096xf32, #tpu.memory_space<vmem>>, vector<64x4096xf32>,
    } else {
    }
    %get3A = arith.constant 0 : index
    %get3A_2 = arith.constant 0 : index
    %get3A_3 = vector.load %arg14[%get3A, %get3A_2] : memref<64x4096xf32, #tpu.memory_space<vmem>>, vector<64x4096xf32>
    %get3A_4 = arith.constant 0 : index
    %get3A_5 = arith.constant 0 : index
    %get3A_6 = vector.load %arg15[%get3A_4, %get3A_5] : memref<64x4096xf32, #tpu.memory_space<vmem>>, vector<64x4096xf32>
    %get3A_7 = arith.constant 0 : index
    %get3A_8 = arith.constant 0 : index
    %get3A_9 = vector.load %arg7[%get3A_7, %get3A_8] : memref<192x6xf32, #tpu.memory_space<vmem>>, vector<192x6xf32>
    %get3A_10 = arith.constant 0 : index
    %get3A_11 = arith.constant 0 : index
    %get3A_12 = vector.load %arg8[%get3A_10, %get3A_11] : memref<192x64xf32, #tpu.memory_space<vmem>>, vector<192x64xf32>
    %get3A_13 = arith.constant 0 : index
    %get3A_14 = arith.constant 0 : index
    %get3A_15 = vector.load %arg9[%get3A_13, %get3A_14] : memref<256x1xf32, #tpu.memory_space<vmem>>, vector<256x1xf32>
    %get3A_16 = arith.constant 0 : index
    %get3A_17 = arith.constant 0 : index
    %get3A_18 = vector.load %arg10[%get3A_16, %get3A_17] : memref<192x64xf32, #tpu.memory_space<vmem>>, vector<192x64xf32>
    %get3A_19 = arith.constant 0 : index
    %get3A_20 = arith.constant 0 : index
    %get3A_21 = vector.load %arg11[%get3A_19, %get3A_20] : memref<192x64xf32, #tpu.memory_space<vmem>>, vector<192x64xf32>
    %get3A_22 = arith.constant 0 : index
    %get3A_23 = arith.constant 0 : index
    %get3A_24 = vector.load %arg12[%get3A_22, %get3A_23] : memref<256x1xf32, #tpu.memory_space<vmem>>, vector<256x1xf32>
    %get3A_25 = arith.constant 0 : index
    %get3A_26 = arith.constant 0 : index
    %get3A_27 = arith.constant 0 : index
    %get3A_28 = vector.load %arg1[%get3A_25, %get3A_26, %get3A_27] : memref<1x6x4096xf32, #tpu.memory_space<vmem>>, vector<1x6x4096xf32>
    %reshape3A = vector.shape_cast %get3A_28 : vector<1x6x4096xf32> to vector<6x4096xf32>
    %dot_general3A = arith.constant dense<0.000000e+00> : vector<192x4096xf32>
    %dot_general3A_29 = tpu.matmul %get3A_9, %reshape3A, %dot_general3A {dimension_numbers = #tpu.dot_dimension_numbers<[1], [0], [0], [1], [0, 0, 1, 1], [], []>, transpose_lhs_hint = false} : vector<192x6xf32>, vector<6x4096xf32>, vector<192x4096xf32> -> vector<192x4096xf32>
    %dot_general3A_30 = arith.constant dense<0.000000e+00> : vector<192x4096xf32>
    %dot_general3A_31 = tpu.matmul %get3A_12, %get3A_3, %dot_general3A_30 {dimension_numbers = #tpu.dot_dimension_numbers<[1], [0], [0], [1], [0, 0, 1, 1], [], []>, transpose_lhs_hint = false} : vector<192x64xf32>, vector<64x4096xf32>, vector<192x4096xf32> -> vector<192x4096xf32>
    %split3A = vector.extract_strided_slice %dot_general3A_29 {offsets = [0, 0], sizes = [64, 4096], strides = [1, 1]} : vector<192x4096xf32> to vector<64x4096xf32>
    %split3A_32 = vector.extract_strided_slice %dot_general3A_29 {offsets = [64, 0], sizes = [64, 4096], strides = [1, 1]} : vector<192x4096xf32> to vector<64x4096xf32>
    %split3A_33 = vector.extract_strided_slice %dot_general3A_29 {offsets = [128, 0], sizes = [64, 4096], strides = [1, 1]} : vector<192x4096xf32> to vector<64x4096xf32>
    %split3A_34 = vector.extract_strided_slice %dot_general3A_31 {offsets = [0, 0], sizes = [64, 4096], strides = [1, 1]} : vector<192x4096xf32> to vector<64x4096xf32>
    %split3A_35 = vector.extract_strided_slice %dot_general3A_31 {offsets = [64, 0], sizes = [64, 4096], strides = [1, 1]} : vector<192x4096xf32> to vector<64x4096xf32>
    %split3A_36 = vector.extract_strided_slice %dot_general3A_31 {offsets = [128, 0], sizes = [64, 4096], strides = [1, 1]} : vector<192x4096xf32> to vector<64x4096xf32>
    %slice3A = vector.extract_strided_slice %get3A_15 {offsets = [0, 0], sizes = [64, 1], strides = [1, 1]} : vector<256x1xf32> to vector<64x1xf32>
    %slice3A_37 = vector.extract_strided_slice %get3A_15 {offsets = [64, 0], sizes = [64, 1], strides = [1, 1]} : vector<256x1xf32> to vector<64x1xf32>
    %slice3A_38 = vector.extract_strided_slice %get3A_15 {offsets = [128, 0], sizes = [64, 1], strides = [1, 1]} : vector<256x1xf32> to vector<64x1xf32>
    %slice3A_39 = vector.extract_strided_slice %get3A_15 {offsets = [192, 0], sizes = [64, 1], strides = [1, 1]} : vector<256x1xf32> to vector<64x1xf32>
    %add3A = arith.addf %split3A, %split3A_34 : vector<64x4096xf32>
    %add3A_40 = vector.broadcast %slice3A : vector<64x1xf32> to vector<64x4096xf32>
    %add3A_41 = arith.addf %add3A, %add3A_40 : vector<64x4096xf32>
    %tanh3A = math.tanh %add3A_41 : vector<64x4096xf32>
    %mul3A = arith.constant 5.000000e-01 : f32
    %mul3A_42 = vector.broadcast %mul3A : f32 to vector<64x4096xf32>
    %mul3A_43 = arith.mulf %mul3A_42, %tanh3A : vector<64x4096xf32>
    %add3A_44 = arith.constant 5.000000e-01 : f32
    %add3A_45 = vector.broadcast %add3A_44 : f32 to vector<64x4096xf32>
    %add3A_46 = arith.addf %mul3A_43, %add3A_45 : vector<64x4096xf32>
    %add3A_47 = arith.addf %split3A_32, %split3A_35 : vector<64x4096xf32>
    %add3A_48 = vector.broadcast %slice3A_37 : vector<64x1xf32> to vector<64x4096xf32>
    %add3A_49 = arith.addf %add3A_47, %add3A_48 : vector<64x4096xf32>
    %tanh3A_50 = math.tanh %add3A_49 : vector<64x4096xf32>
    %mul3A_51 = arith.constant 5.000000e-01 : f32
    %mul3A_52 = vector.broadcast %mul3A_51 : f32 to vector<64x4096xf32>
    %mul3A_53 = arith.mulf %mul3A_52, %tanh3A_50 : vector<64x4096xf32>
    %add3A_54 = arith.constant 5.000000e-01 : f32
    %add3A_55 = vector.broadcast %add3A_54 : f32 to vector<64x4096xf32>
    %add3A_56 = arith.addf %mul3A_53, %add3A_55 : vector<64x4096xf32>
    %add3A_57 = vector.broadcast %slice3A_38 : vector<64x1xf32> to vector<64x4096xf32>
    %add3A_58 = arith.addf %split3A_33, %add3A_57 : vector<64x4096xf32>
    %add3A_59 = vector.broadcast %slice3A_39 : vector<64x1xf32> to vector<64x4096xf32>
    %add3A_60 = arith.addf %split3A_36, %add3A_59 : vector<64x4096xf32>
    %mul3A_61 = arith.mulf %add3A_46, %add3A_60 : vector<64x4096xf32>
    %add3A_62 = arith.addf %add3A_58, %mul3A_61 : vector<64x4096xf32>
    %tanh3A_63 = math.tanh %add3A_62 : vector<64x4096xf32>
    %sub3A = arith.subf %get3A_3, %tanh3A_63 : vector<64x4096xf32>
    %mul3A_64 = arith.mulf %add3A_56, %sub3A : vector<64x4096xf32>
    %add3A_65 = arith.addf %tanh3A_63, %mul3A_64 : vector<64x4096xf32>
    %dot_general3A_66 = arith.constant dense<0.000000e+00> : vector<192x4096xf32>
    %dot_general3A_67 = tpu.matmul %get3A_18, %add3A_65, %dot_general3A_66 {dimension_numbers = #tpu.dot_dimension_numbers<[1], [0], [0], [1], [0, 0, 1, 1], [], []>, transpose_lhs_hint = false} : vector<192x64xf32>, vector<64x4096xf32>, vector<192x4096xf32> -> vector<192x4096xf32>
    %dot_general3A_68 = arith.constant dense<0.000000e+00> : vector<192x4096xf32>
    %dot_general3A_69 = tpu.matmul %get3A_21, %get3A_6, %dot_general3A_68 {dimension_numbers = #tpu.dot_dimension_numbers<[1], [0], [0], [1], [0, 0, 1, 1], [], []>, transpose_lhs_hint = false} : vector<192x64xf32>, vector<64x4096xf32>, vector<192x4096xf32> -> vector<192x4096xf32>
    %split3A_70 = vector.extract_strided_slice %dot_general3A_67 {offsets = [0, 0], sizes = [64, 4096], strides = [1, 1]} : vector<192x4096xf32> to vector<64x4096xf32>
    %split3A_71 = vector.extract_strided_slice %dot_general3A_67 {offsets = [64, 0], sizes = [64, 4096], strides = [1, 1]} : vector<192x4096xf32> to vector<64x4096xf32>
    %split3A_72 = vector.extract_strided_slice %dot_general3A_67 {offsets = [128, 0], sizes = [64, 4096], strides = [1, 1]} : vector<192x4096xf32> to vector<64x4096xf32>
    %split3A_73 = vector.extract_strided_slice %dot_general3A_69 {offsets = [0, 0], sizes = [64, 4096], strides = [1, 1]} : vector<192x4096xf32> to vector<64x4096xf32>
    %split3A_74 = vector.extract_strided_slice %dot_general3A_69 {offsets = [64, 0], sizes = [64, 4096], strides = [1, 1]} : vector<192x4096xf32> to vector<64x4096xf32>
    %split3A_75 = vector.extract_strided_slice %dot_general3A_69 {offsets = [128, 0], sizes = [64, 4096], strides = [1, 1]} : vector<192x4096xf32> to vector<64x4096xf32>
    %slice3A_76 = vector.extract_strided_slice %get3A_24 {offsets = [0, 0], sizes = [64, 1], strides = [1, 1]} : vector<256x1xf32> to vector<64x1xf32>
    %slice3A_77 = vector.extract_strided_slice %get3A_24 {offsets = [64, 0], sizes = [64, 1], strides = [1, 1]} : vector<256x1xf32> to vector<64x1xf32>
    %slice3A_78 = vector.extract_strided_slice %get3A_24 {offsets = [128, 0], sizes = [64, 1], strides = [1, 1]} : vector<256x1xf32> to vector<64x1xf32>
    %slice3A_79 = vector.extract_strided_slice %get3A_24 {offsets = [192, 0], sizes = [64, 1], strides = [1, 1]} : vector<256x1xf32> to vector<64x1xf32>
    %add3A_80 = arith.addf %split3A_70, %split3A_73 : vector<64x4096xf32>
    %add3A_81 = vector.broadcast %slice3A_76 : vector<64x1xf32> to vector<64x4096xf32>
    %add3A_82 = arith.addf %add3A_80, %add3A_81 : vector<64x4096xf32>
    %tanh3A_83 = math.tanh %add3A_82 : vector<64x4096xf32>
    %mul3A_84 = arith.constant 5.000000e-01 : f32
    %mul3A_85 = vector.broadcast %mul3A_84 : f32 to vector<64x4096xf32>
    %mul3A_86 = arith.mulf %mul3A_85, %tanh3A_83 : vector<64x4096xf32>
    %add3A_87 = arith.constant 5.000000e-01 : f32
    %add3A_88 = vector.broadcast %add3A_87 : f32 to vector<64x4096xf32>
    %add3A_89 = arith.addf %mul3A_86, %add3A_88 : vector<64x4096xf32>
    %add3A_90 = arith.addf %split3A_71, %split3A_74 : vector<64x4096xf32>
    %add3A_91 = vector.broadcast %slice3A_77 : vector<64x1xf32> to vector<64x4096xf32>
    %add3A_92 = arith.addf %add3A_90, %add3A_91 : vector<64x4096xf32>
    %tanh3A_93 = math.tanh %add3A_92 : vector<64x4096xf32>
    %mul3A_94 = arith.constant 5.000000e-01 : f32
    %mul3A_95 = vector.broadcast %mul3A_94 : f32 to vector<64x4096xf32>
    %mul3A_96 = arith.mulf %mul3A_95, %tanh3A_93 : vector<64x4096xf32>
    %add3A_97 = arith.constant 5.000000e-01 : f32
    %add3A_98 = vector.broadcast %add3A_97 : f32 to vector<64x4096xf32>
    %add3A_99 = arith.addf %mul3A_96, %add3A_98 : vector<64x4096xf32>
    %add3A_100 = vector.broadcast %slice3A_78 : vector<64x1xf32> to vector<64x4096xf32>
    %add3A_101 = arith.addf %split3A_72, %add3A_100 : vector<64x4096xf32>
    %add3A_102 = vector.broadcast %slice3A_79 : vector<64x1xf32> to vector<64x4096xf32>
    %add3A_103 = arith.addf %split3A_75, %add3A_102 : vector<64x4096xf32>
    %mul3A_104 = arith.mulf %add3A_89, %add3A_103 : vector<64x4096xf32>
    %add3A_105 = arith.addf %add3A_101, %mul3A_104 : vector<64x4096xf32>
    %tanh3A_106 = math.tanh %add3A_105 : vector<64x4096xf32>
    %sub3A_107 = arith.subf %get3A_6, %tanh3A_106 : vector<64x4096xf32>
    %mul3A_108 = arith.mulf %add3A_99, %sub3A_107 : vector<64x4096xf32>
    %add3A_109 = arith.addf %tanh3A_106, %mul3A_108 : vector<64x4096xf32>
    %get3A_110 = arith.constant 0 : index
    %get3A_111 = arith.constant 0 : index
    %get3A_112 = arith.constant 0 : index
    %get3A_113 = vector.load %arg2[%get3A_110, %get3A_111, %get3A_112] : memref<1x6x4096xf32, #tpu.memory_space<vmem>>, vector<1x6x4096xf32>
    %reshape3A_114 = vector.shape_cast %get3A_113 : vector<1x6x4096xf32> to vector<6x4096xf32>
    %dot_general3A_115 = arith.constant dense<0.000000e+00> : vector<192x4096xf32>
    %dot_general3A_116 = tpu.matmul %get3A_9, %reshape3A_114, %dot_general3A_115 {dimension_numbers = #tpu.dot_dimension_numbers<[1], [0], [0], [1], [0, 0, 1, 1], [], []>, transpose_lhs_hint = false} : vector<192x6xf32>, vector<6x4096xf32>, vector<192x4096xf32> -> vector<192x4096xf32>
    %dot_general3A_117 = arith.constant dense<0.000000e+00> : vector<192x4096xf32>
    %dot_general3A_118 = tpu.matmul %get3A_12, %add3A_65, %dot_general3A_117 {dimension_numbers = #tpu.dot_dimension_numbers<[1], [0], [0], [1], [0, 0, 1, 1], [], []>, transpose_lhs_hint = false} : vector<192x64xf32>, vector<64x4096xf32>, vector<192x4096xf32> -> vector<192x4096xf32>
    %split3A_119 = vector.extract_strided_slice %dot_general3A_116 {offsets = [0, 0], sizes = [64, 4096], strides = [1, 1]} : vector<192x4096xf32> to vector<64x4096xf32>
    %split3A_120 = vector.extract_strided_slice %dot_general3A_116 {offsets = [64, 0], sizes = [64, 4096], strides = [1, 1]} : vector<192x4096xf32> to vector<64x4096xf32>
    %split3A_121 = vector.extract_strided_slice %dot_general3A_116 {offsets = [128, 0], sizes = [64, 4096], strides = [1, 1]} : vector<192x4096xf32> to vector<64x4096xf32>
    %split3A_122 = vector.extract_strided_slice %dot_general3A_118 {offsets = [0, 0], sizes = [64, 4096], strides = [1, 1]} : vector<192x4096xf32> to vector<64x4096xf32>
    %split3A_123 = vector.extract_strided_slice %dot_general3A_118 {offsets = [64, 0], sizes = [64, 4096], strides = [1, 1]} : vector<192x4096xf32> to vector<64x4096xf32>
    %split3A_124 = vector.extract_strided_slice %dot_general3A_118 {offsets = [128, 0], sizes = [64, 4096], strides = [1, 1]} : vector<192x4096xf32> to vector<64x4096xf32>
    %slice3A_125 = vector.extract_strided_slice %get3A_15 {offsets = [0, 0], sizes = [64, 1], strides = [1, 1]} : vector<256x1xf32> to vector<64x1xf32>
    %slice3A_126 = vector.extract_strided_slice %get3A_15 {offsets = [64, 0], sizes = [64, 1], strides = [1, 1]} : vector<256x1xf32> to vector<64x1xf32>
    %slice3A_127 = vector.extract_strided_slice %get3A_15 {offsets = [128, 0], sizes = [64, 1], strides = [1, 1]} : vector<256x1xf32> to vector<64x1xf32>
    %slice3A_128 = vector.extract_strided_slice %get3A_15 {offsets = [192, 0], sizes = [64, 1], strides = [1, 1]} : vector<256x1xf32> to vector<64x1xf32>
    %add3A_129 = arith.addf %split3A_119, %split3A_122 : vector<64x4096xf32>
    %add3A_130 = vector.broadcast %slice3A_125 : vector<64x1xf32> to vector<64x4096xf32>
    %add3A_131 = arith.addf %add3A_129, %add3A_130 : vector<64x4096xf32>
    %tanh3A_132 = math.tanh %add3A_131 : vector<64x4096xf32>
    %mul3A_133 = arith.constant 5.000000e-01 : f32
    %mul3A_134 = vector.broadcast %mul3A_133 : f32 to vector<64x4096xf32>
    %mul3A_135 = arith.mulf %mul3A_134, %tanh3A_132 : vector<64x4096xf32>
    %add3A_136 = arith.constant 5.000000e-01 : f32
    %add3A_137 = vector.broadcast %add3A_136 : f32 to vector<64x4096xf32>
    %add3A_138 = arith.addf %mul3A_135, %add3A_137 : vector<64x4096xf32>
    %add3A_139 = arith.addf %split3A_120, %split3A_123 : vector<64x4096xf32>
    %add3A_140 = vector.broadcast %slice3A_126 : vector<64x1xf32> to vector<64x4096xf32>
    %add3A_141 = arith.addf %add3A_139, %add3A_140 : vector<64x4096xf32>
    %tanh3A_142 = math.tanh %add3A_141 : vector<64x4096xf32>
    %mul3A_143 = arith.constant 5.000000e-01 : f32
    %mul3A_144 = vector.broadcast %mul3A_143 : f32 to vector<64x4096xf32>
    %mul3A_145 = arith.mulf %mul3A_144, %tanh3A_142 : vector<64x4096xf32>
    %add3A_146 = arith.constant 5.000000e-01 : f32
    %add3A_147 = vector.broadcast %add3A_146 : f32 to vector<64x4096xf32>
    %add3A_148 = arith.addf %mul3A_145, %add3A_147 : vector<64x4096xf32>
    %add3A_149 = vector.broadcast %slice3A_127 : vector<64x1xf32> to vector<64x4096xf32>
    %add3A_150 = arith.addf %split3A_121, %add3A_149 : vector<64x4096xf32>
    %add3A_151 = vector.broadcast %slice3A_128 : vector<64x1xf32> to vector<64x4096xf32>
    %add3A_152 = arith.addf %split3A_124, %add3A_151 : vector<64x4096xf32>
    %mul3A_153 = arith.mulf %add3A_138, %add3A_152 : vector<64x4096xf32>
    %add3A_154 = arith.addf %add3A_150, %mul3A_153 : vector<64x4096xf32>
    %tanh3A_155 = math.tanh %add3A_154 : vector<64x4096xf32>
    %sub3A_156 = arith.subf %add3A_65, %tanh3A_155 : vector<64x4096xf32>
    %mul3A_157 = arith.mulf %add3A_148, %sub3A_156 : vector<64x4096xf32>
    %add3A_158 = arith.addf %tanh3A_155, %mul3A_157 : vector<64x4096xf32>
    %dot_general3A_159 = arith.constant dense<0.000000e+00> : vector<192x4096xf32>
    %dot_general3A_160 = tpu.matmul %get3A_18, %add3A_158, %dot_general3A_159 {dimension_numbers = #tpu.dot_dimension_numbers<[1], [0], [0], [1], [0, 0, 1, 1], [], []>, transpose_lhs_hint = false} : vector<192x64xf32>, vector<64x4096xf32>, vector<192x4096xf32> -> vector<192x4096xf32>
    %dot_general3A_161 = arith.constant dense<0.000000e+00> : vector<192x4096xf32>
    %dot_general3A_162 = tpu.matmul %get3A_21, %add3A_109, %dot_general3A_161 {dimension_numbers = #tpu.dot_dimension_numbers<[1], [0], [0], [1], [0, 0, 1, 1], [], []>, transpose_lhs_hint = false} : vector<192x64xf32>, vector<64x4096xf32>, vector<192x4096xf32> -> vector<192x4096xf32>
    %split3A_163 = vector.extract_strided_slice %dot_general3A_160 {offsets = [0, 0], sizes = [64, 4096], strides = [1, 1]} : vector<192x4096xf32> to vector<64x4096xf32>
    %split3A_164 = vector.extract_strided_slice %dot_general3A_160 {offsets = [64, 0], sizes = [64, 4096], strides = [1, 1]} : vector<192x4096xf32> to vector<64x4096xf32>
    %split3A_165 = vector.extract_strided_slice %dot_general3A_160 {offsets = [128, 0], sizes = [64, 4096], strides = [1, 1]} : vector<192x4096xf32> to vector<64x4096xf32>
    %split3A_166 = vector.extract_strided_slice %dot_general3A_162 {offsets = [0, 0], sizes = [64, 4096], strides = [1, 1]} : vector<192x4096xf32> to vector<64x4096xf32>
    %split3A_167 = vector.extract_strided_slice %dot_general3A_162 {offsets = [64, 0], sizes = [64, 4096], strides = [1, 1]} : vector<192x4096xf32> to vector<64x4096xf32>
    %split3A_168 = vector.extract_strided_slice %dot_general3A_162 {offsets = [128, 0], sizes = [64, 4096], strides = [1, 1]} : vector<192x4096xf32> to vector<64x4096xf32>
    %slice3A_169 = vector.extract_strided_slice %get3A_24 {offsets = [0, 0], sizes = [64, 1], strides = [1, 1]} : vector<256x1xf32> to vector<64x1xf32>
    %slice3A_170 = vector.extract_strided_slice %get3A_24 {offsets = [64, 0], sizes = [64, 1], strides = [1, 1]} : vector<256x1xf32> to vector<64x1xf32>
    %slice3A_171 = vector.extract_strided_slice %get3A_24 {offsets = [128, 0], sizes = [64, 1], strides = [1, 1]} : vector<256x1xf32> to vector<64x1xf32>
    %slice3A_172 = vector.extract_strided_slice %get3A_24 {offsets = [192, 0], sizes = [64, 1], strides = [1, 1]} : vector<256x1xf32> to vector<64x1xf32>
    %add3A_173 = arith.addf %split3A_163, %split3A_166 : vector<64x4096xf32>
    %add3A_174 = vector.broadcast %slice3A_169 : vector<64x1xf32> to vector<64x4096xf32>
    %add3A_175 = arith.addf %add3A_173, %add3A_174 : vector<64x4096xf32>
    %tanh3A_176 = math.tanh %add3A_175 : vector<64x4096xf32>
    %mul3A_177 = arith.constant 5.000000e-01 : f32
    %mul3A_178 = vector.broadcast %mul3A_177 : f32 to vector<64x4096xf32>
    %mul3A_179 = arith.mulf %mul3A_178, %tanh3A_176 : vector<64x4096xf32>
    %add3A_180 = arith.constant 5.000000e-01 : f32
    %add3A_181 = vector.broadcast %add3A_180 : f32 to vector<64x4096xf32>
    %add3A_182 = arith.addf %mul3A_179, %add3A_181 : vector<64x4096xf32>
    %add3A_183 = arith.addf %split3A_164, %split3A_167 : vector<64x4096xf32>
    %add3A_184 = vector.broadcast %slice3A_170 : vector<64x1xf32> to vector<64x4096xf32>
    %add3A_185 = arith.addf %add3A_183, %add3A_184 : vector<64x4096xf32>
    %tanh3A_186 = math.tanh %add3A_185 : vector<64x4096xf32>
    %mul3A_187 = arith.constant 5.000000e-01 : f32
    %mul3A_188 = vector.broadcast %mul3A_187 : f32 to vector<64x4096xf32>
    %mul3A_189 = arith.mulf %mul3A_188, %tanh3A_186 : vector<64x4096xf32>
    %add3A_190 = arith.constant 5.000000e-01 : f32
    %add3A_191 = vector.broadcast %add3A_190 : f32 to vector<64x4096xf32>
    %add3A_192 = arith.addf %mul3A_189, %add3A_191 : vector<64x4096xf32>
    %add3A_193 = vector.broadcast %slice3A_171 : vector<64x1xf32> to vector<64x4096xf32>
    %add3A_194 = arith.addf %split3A_165, %add3A_193 : vector<64x4096xf32>
    %add3A_195 = vector.broadcast %slice3A_172 : vector<64x1xf32> to vector<64x4096xf32>
    %add3A_196 = arith.addf %split3A_168, %add3A_195 : vector<64x4096xf32>
    %mul3A_197 = arith.mulf %add3A_182, %add3A_196 : vector<64x4096xf32>
    %add3A_198 = arith.addf %add3A_194, %mul3A_197 : vector<64x4096xf32>
    %tanh3A_199 = math.tanh %add3A_198 : vector<64x4096xf32>
    %sub3A_200 = arith.subf %add3A_109, %tanh3A_199 : vector<64x4096xf32>
    %mul3A_201 = arith.mulf %add3A_192, %sub3A_200 : vector<64x4096xf32>
    %add3A_202 = arith.addf %tanh3A_199, %mul3A_201 : vector<64x4096xf32>
    %get3A_203 = arith.constant 0 : index
    %get3A_204 = arith.constant 0 : index
    %get3A_205 = arith.constant 0 : index
    %get3A_206 = vector.load %arg3[%get3A_203, %get3A_204, %get3A_205] : memref<1x6x4096xf32, #tpu.memory_space<vmem>>, vector<1x6x4096xf32>
    %reshape3A_207 = vector.shape_cast %get3A_206 : vector<1x6x4096xf32> to vector<6x4096xf32>
    %dot_general3A_208 = arith.constant dense<0.000000e+00> : vector<192x4096xf32>
    %dot_general3A_209 = tpu.matmul %get3A_9, %reshape3A_207, %dot_general3A_208 {dimension_numbers = #tpu.dot_dimension_numbers<[1], [0], [0], [1], [0, 0, 1, 1], [], []>, transpose_lhs_hint = false} : vector<192x6xf32>, vector<6x4096xf32>, vector<192x4096xf32> -> vector<192x4096xf32>
    %dot_general3A_210 = arith.constant dense<0.000000e+00> : vector<192x4096xf32>
    %dot_general3A_211 = tpu.matmul %get3A_12, %add3A_158, %dot_general3A_210 {dimension_numbers = #tpu.dot_dimension_numbers<[1], [0], [0], [1], [0, 0, 1, 1], [], []>, transpose_lhs_hint = false} : vector<192x64xf32>, vector<64x4096xf32>, vector<192x4096xf32> -> vector<192x4096xf32>
    %split3A_212 = vector.extract_strided_slice %dot_general3A_209 {offsets = [0, 0], sizes = [64, 4096], strides = [1, 1]} : vector<192x4096xf32> to vector<64x4096xf32>
    %split3A_213 = vector.extract_strided_slice %dot_general3A_209 {offsets = [64, 0], sizes = [64, 4096], strides = [1, 1]} : vector<192x4096xf32> to vector<64x4096xf32>
    %split3A_214 = vector.extract_strided_slice %dot_general3A_209 {offsets = [128, 0], sizes = [64, 4096], strides = [1, 1]} : vector<192x4096xf32> to vector<64x4096xf32>
    %split3A_215 = vector.extract_strided_slice %dot_general3A_211 {offsets = [0, 0], sizes = [64, 4096], strides = [1, 1]} : vector<192x4096xf32> to vector<64x4096xf32>
    %split3A_216 = vector.extract_strided_slice %dot_general3A_211 {offsets = [64, 0], sizes = [64, 4096], strides = [1, 1]} : vector<192x4096xf32> to vector<64x4096xf32>
    %split3A_217 = vector.extract_strided_slice %dot_general3A_211 {offsets = [128, 0], sizes = [64, 4096], strides = [1, 1]} : vector<192x4096xf32> to vector<64x4096xf32>
    %slice3A_218 = vector.extract_strided_slice %get3A_15 {offsets = [0, 0], sizes = [64, 1], strides = [1, 1]} : vector<256x1xf32> to vector<64x1xf32>
    %slice3A_219 = vector.extract_strided_slice %get3A_15 {offsets = [64, 0], sizes = [64, 1], strides = [1, 1]} : vector<256x1xf32> to vector<64x1xf32>
    %slice3A_220 = vector.extract_strided_slice %get3A_15 {offsets = [128, 0], sizes = [64, 1], strides = [1, 1]} : vector<256x1xf32> to vector<64x1xf32>
    %slice3A_221 = vector.extract_strided_slice %get3A_15 {offsets = [192, 0], sizes = [64, 1], strides = [1, 1]} : vector<256x1xf32> to vector<64x1xf32>
    %add3A_222 = arith.addf %split3A_212, %split3A_215 : vector<64x4096xf32>
    %add3A_223 = vector.broadcast %slice3A_218 : vector<64x1xf32> to vector<64x4096xf32>
    %add3A_224 = arith.addf %add3A_222, %add3A_223 : vector<64x4096xf32>
    %tanh3A_225 = math.tanh %add3A_224 : vector<64x4096xf32>
    %mul3A_226 = arith.constant 5.000000e-01 : f32
    %mul3A_227 = vector.broadcast %mul3A_226 : f32 to vector<64x4096xf32>
    %mul3A_228 = arith.mulf %mul3A_227, %tanh3A_225 : vector<64x4096xf32>
    %add3A_229 = arith.constant 5.000000e-01 : f32
    %add3A_230 = vector.broadcast %add3A_229 : f32 to vector<64x4096xf32>
    %add3A_231 = arith.addf %mul3A_228, %add3A_230 : vector<64x4096xf32>
    %add3A_232 = arith.addf %split3A_213, %split3A_216 : vector<64x4096xf32>
    %add3A_233 = vector.broadcast %slice3A_219 : vector<64x1xf32> to vector<64x4096xf32>
    %add3A_234 = arith.addf %add3A_232, %add3A_233 : vector<64x4096xf32>
    %tanh3A_235 = math.tanh %add3A_234 : vector<64x4096xf32>
    %mul3A_236 = arith.constant 5.000000e-01 : f32
    %mul3A_237 = vector.broadcast %mul3A_236 : f32 to vector<64x4096xf32>
    %mul3A_238 = arith.mulf %mul3A_237, %tanh3A_235 : vector<64x4096xf32>
    %add3A_239 = arith.constant 5.000000e-01 : f32
    %add3A_240 = vector.broadcast %add3A_239 : f32 to vector<64x4096xf32>
    %add3A_241 = arith.addf %mul3A_238, %add3A_240 : vector<64x4096xf32>
    %add3A_242 = vector.broadcast %slice3A_220 : vector<64x1xf32> to vector<64x4096xf32>
    %add3A_243 = arith.addf %split3A_214, %add3A_242 : vector<64x4096xf32>
    %add3A_244 = vector.broadcast %slice3A_221 : vector<64x1xf32> to vector<64x4096xf32>
    %add3A_245 = arith.addf %split3A_217, %add3A_244 : vector<64x4096xf32>
    %mul3A_246 = arith.mulf %add3A_231, %add3A_245 : vector<64x4096xf32>
    %add3A_247 = arith.addf %add3A_243, %mul3A_246 : vector<64x4096xf32>
    %tanh3A_248 = math.tanh %add3A_247 : vector<64x4096xf32>
    %sub3A_249 = arith.subf %add3A_158, %tanh3A_248 : vector<64x4096xf32>
    %mul3A_250 = arith.mulf %add3A_241, %sub3A_249 : vector<64x4096xf32>
    %add3A_251 = arith.addf %tanh3A_248, %mul3A_250 : vector<64x4096xf32>
    %dot_general3A_252 = arith.constant dense<0.000000e+00> : vector<192x4096xf32>
    %dot_general3A_253 = tpu.matmul %get3A_18, %add3A_251, %dot_general3A_252 {dimension_numbers = #tpu.dot_dimension_numbers<[1], [0], [0], [1], [0, 0, 1, 1], [], []>, transpose_lhs_hint = false} : vector<192x64xf32>, vector<64x4096xf32>, vector<192x4096xf32> -> vector<192x4096xf32>
    %dot_general3A_254 = arith.constant dense<0.000000e+00> : vector<192x4096xf32>
    %dot_general3A_255 = tpu.matmul %get3A_21, %add3A_202, %dot_general3A_254 {dimension_numbers = #tpu.dot_dimension_numbers<[1], [0], [0], [1], [0, 0, 1, 1], [], []>, transpose_lhs_hint = false} : vector<192x64xf32>, vector<64x4096xf32>, vector<192x4096xf32> -> vector<192x4096xf32>
    %split3A_256 = vector.extract_strided_slice %dot_general3A_253 {offsets = [0, 0], sizes = [64, 4096], strides = [1, 1]} : vector<192x4096xf32> to vector<64x4096xf32>
    %split3A_257 = vector.extract_strided_slice %dot_general3A_253 {offsets = [64, 0], sizes = [64, 4096], strides = [1, 1]} : vector<192x4096xf32> to vector<64x4096xf32>
    %split3A_258 = vector.extract_strided_slice %dot_general3A_253 {offsets = [128, 0], sizes = [64, 4096], strides = [1, 1]} : vector<192x4096xf32> to vector<64x4096xf32>
    %split3A_259 = vector.extract_strided_slice %dot_general3A_255 {offsets = [0, 0], sizes = [64, 4096], strides = [1, 1]} : vector<192x4096xf32> to vector<64x4096xf32>
    %split3A_260 = vector.extract_strided_slice %dot_general3A_255 {offsets = [64, 0], sizes = [64, 4096], strides = [1, 1]} : vector<192x4096xf32> to vector<64x4096xf32>
    %split3A_261 = vector.extract_strided_slice %dot_general3A_255 {offsets = [128, 0], sizes = [64, 4096], strides = [1, 1]} : vector<192x4096xf32> to vector<64x4096xf32>
    %slice3A_262 = vector.extract_strided_slice %get3A_24 {offsets = [0, 0], sizes = [64, 1], strides = [1, 1]} : vector<256x1xf32> to vector<64x1xf32>
    %slice3A_263 = vector.extract_strided_slice %get3A_24 {offsets = [64, 0], sizes = [64, 1], strides = [1, 1]} : vector<256x1xf32> to vector<64x1xf32>
    %slice3A_264 = vector.extract_strided_slice %get3A_24 {offsets = [128, 0], sizes = [64, 1], strides = [1, 1]} : vector<256x1xf32> to vector<64x1xf32>
    %slice3A_265 = vector.extract_strided_slice %get3A_24 {offsets = [192, 0], sizes = [64, 1], strides = [1, 1]} : vector<256x1xf32> to vector<64x1xf32>
    %add3A_266 = arith.addf %split3A_256, %split3A_259 : vector<64x4096xf32>
    %add3A_267 = vector.broadcast %slice3A_262 : vector<64x1xf32> to vector<64x4096xf32>
    %add3A_268 = arith.addf %add3A_266, %add3A_267 : vector<64x4096xf32>
    %tanh3A_269 = math.tanh %add3A_268 : vector<64x4096xf32>
    %mul3A_270 = arith.constant 5.000000e-01 : f32
    %mul3A_271 = vector.broadcast %mul3A_270 : f32 to vector<64x4096xf32>
    %mul3A_272 = arith.mulf %mul3A_271, %tanh3A_269 : vector<64x4096xf32>
    %add3A_273 = arith.constant 5.000000e-01 : f32
    %add3A_274 = vector.broadcast %add3A_273 : f32 to vector<64x4096xf32>
    %add3A_275 = arith.addf %mul3A_272, %add3A_274 : vector<64x4096xf32>
    %add3A_276 = arith.addf %split3A_257, %split3A_260 : vector<64x4096xf32>
    %add3A_277 = vector.broadcast %slice3A_263 : vector<64x1xf32> to vector<64x4096xf32>
    %add3A_278 = arith.addf %add3A_276, %add3A_277 : vector<64x4096xf32>
    %tanh3A_279 = math.tanh %add3A_278 : vector<64x4096xf32>
    %mul3A_280 = arith.constant 5.000000e-01 : f32
    %mul3A_281 = vector.broadcast %mul3A_280 : f32 to vector<64x4096xf32>
    %mul3A_282 = arith.mulf %mul3A_281, %tanh3A_279 : vector<64x4096xf32>
    %add3A_283 = arith.constant 5.000000e-01 : f32
    %add3A_284 = vector.broadcast %add3A_283 : f32 to vector<64x4096xf32>
    %add3A_285 = arith.addf %mul3A_282, %add3A_284 : vector<64x4096xf32>
    %add3A_286 = vector.broadcast %slice3A_264 : vector<64x1xf32> to vector<64x4096xf32>
    %add3A_287 = arith.addf %split3A_258, %add3A_286 : vector<64x4096xf32>
    %add3A_288 = vector.broadcast %slice3A_265 : vector<64x1xf32> to vector<64x4096xf32>
    %add3A_289 = arith.addf %split3A_261, %add3A_288 : vector<64x4096xf32>
    %mul3A_290 = arith.mulf %add3A_275, %add3A_289 : vector<64x4096xf32>
    %add3A_291 = arith.addf %add3A_287, %mul3A_290 : vector<64x4096xf32>
    %tanh3A_292 = math.tanh %add3A_291 : vector<64x4096xf32>
    %sub3A_293 = arith.subf %add3A_202, %tanh3A_292 : vector<64x4096xf32>
    %mul3A_294 = arith.mulf %add3A_285, %sub3A_293 : vector<64x4096xf32>
    %add3A_295 = arith.addf %tanh3A_292, %mul3A_294 : vector<64x4096xf32>
    %get3A_296 = arith.constant 0 : index
    %get3A_297 = arith.constant 0 : index
    %get3A_298 = arith.constant 0 : index
    %get3A_299 = vector.load %arg4[%get3A_296, %get3A_297, %get3A_298] : memref<1x6x4096xf32, #tpu.memory_space<vmem>>, vector<1x6x4096xf32>
    %reshape3A_300 = vector.shape_cast %get3A_299 : vector<1x6x4096xf32> to vector<6x4096xf32>
    %dot_general3A_301 = arith.constant dense<0.000000e+00> : vector<192x4096xf32>
    %dot_general3A_302 = tpu.matmul %get3A_9, %reshape3A_300, %dot_general3A_301 {dimension_numbers = #tpu.dot_dimension_numbers<[1], [0], [0], [1], [0, 0, 1, 1], [], []>, transpose_lhs_hint = false} : vector<192x6xf32>, vector<6x4096xf32>, vector<192x4096xf32> -> vector<192x4096xf32>
    %dot_general3A_303 = arith.constant dense<0.000000e+00> : vector<192x4096xf32>
    %dot_general3A_304 = tpu.matmul %get3A_12, %add3A_251, %dot_general3A_303 {dimension_numbers = #tpu.dot_dimension_numbers<[1], [0], [0], [1], [0, 0, 1, 1], [], []>, transpose_lhs_hint = false} : vector<192x64xf32>, vector<64x4096xf32>, vector<192x4096xf32> -> vector<192x4096xf32>
    %split3A_305 = vector.extract_strided_slice %dot_general3A_302 {offsets = [0, 0], sizes = [64, 4096], strides = [1, 1]} : vector<192x4096xf32> to vector<64x4096xf32>
    %split3A_306 = vector.extract_strided_slice %dot_general3A_302 {offsets = [64, 0], sizes = [64, 4096], strides = [1, 1]} : vector<192x4096xf32> to vector<64x4096xf32>
    %split3A_307 = vector.extract_strided_slice %dot_general3A_302 {offsets = [128, 0], sizes = [64, 4096], strides = [1, 1]} : vector<192x4096xf32> to vector<64x4096xf32>
    %split3A_308 = vector.extract_strided_slice %dot_general3A_304 {offsets = [0, 0], sizes = [64, 4096], strides = [1, 1]} : vector<192x4096xf32> to vector<64x4096xf32>
    %split3A_309 = vector.extract_strided_slice %dot_general3A_304 {offsets = [64, 0], sizes = [64, 4096], strides = [1, 1]} : vector<192x4096xf32> to vector<64x4096xf32>
    %split3A_310 = vector.extract_strided_slice %dot_general3A_304 {offsets = [128, 0], sizes = [64, 4096], strides = [1, 1]} : vector<192x4096xf32> to vector<64x4096xf32>
    %slice3A_311 = vector.extract_strided_slice %get3A_15 {offsets = [0, 0], sizes = [64, 1], strides = [1, 1]} : vector<256x1xf32> to vector<64x1xf32>
    %slice3A_312 = vector.extract_strided_slice %get3A_15 {offsets = [64, 0], sizes = [64, 1], strides = [1, 1]} : vector<256x1xf32> to vector<64x1xf32>
    %slice3A_313 = vector.extract_strided_slice %get3A_15 {offsets = [128, 0], sizes = [64, 1], strides = [1, 1]} : vector<256x1xf32> to vector<64x1xf32>
    %slice3A_314 = vector.extract_strided_slice %get3A_15 {offsets = [192, 0], sizes = [64, 1], strides = [1, 1]} : vector<256x1xf32> to vector<64x1xf32>
    %add3A_315 = arith.addf %split3A_305, %split3A_308 : vector<64x4096xf32>
    %add3A_316 = vector.broadcast %slice3A_311 : vector<64x1xf32> to vector<64x4096xf32>
    %add3A_317 = arith.addf %add3A_315, %add3A_316 : vector<64x4096xf32>
    %tanh3A_318 = math.tanh %add3A_317 : vector<64x4096xf32>
    %mul3A_319 = arith.constant 5.000000e-01 : f32
    %mul3A_320 = vector.broadcast %mul3A_319 : f32 to vector<64x4096xf32>
    %mul3A_321 = arith.mulf %mul3A_320, %tanh3A_318 : vector<64x4096xf32>
    %add3A_322 = arith.constant 5.000000e-01 : f32
    %add3A_323 = vector.broadcast %add3A_322 : f32 to vector<64x4096xf32>
    %add3A_324 = arith.addf %mul3A_321, %add3A_323 : vector<64x4096xf32>
    %add3A_325 = arith.addf %split3A_306, %split3A_309 : vector<64x4096xf32>
    %add3A_326 = vector.broadcast %slice3A_312 : vector<64x1xf32> to vector<64x4096xf32>
    %add3A_327 = arith.addf %add3A_325, %add3A_326 : vector<64x4096xf32>
    %tanh3A_328 = math.tanh %add3A_327 : vector<64x4096xf32>
    %mul3A_329 = arith.constant 5.000000e-01 : f32
    %mul3A_330 = vector.broadcast %mul3A_329 : f32 to vector<64x4096xf32>
    %mul3A_331 = arith.mulf %mul3A_330, %tanh3A_328 : vector<64x4096xf32>
    %add3A_332 = arith.constant 5.000000e-01 : f32
    %add3A_333 = vector.broadcast %add3A_332 : f32 to vector<64x4096xf32>
    %add3A_334 = arith.addf %mul3A_331, %add3A_333 : vector<64x4096xf32>
    %add3A_335 = vector.broadcast %slice3A_313 : vector<64x1xf32> to vector<64x4096xf32>
    %add3A_336 = arith.addf %split3A_307, %add3A_335 : vector<64x4096xf32>
    %add3A_337 = vector.broadcast %slice3A_314 : vector<64x1xf32> to vector<64x4096xf32>
    %add3A_338 = arith.addf %split3A_310, %add3A_337 : vector<64x4096xf32>
    %mul3A_339 = arith.mulf %add3A_324, %add3A_338 : vector<64x4096xf32>
    %add3A_340 = arith.addf %add3A_336, %mul3A_339 : vector<64x4096xf32>
    %tanh3A_341 = math.tanh %add3A_340 : vector<64x4096xf32>
    %sub3A_342 = arith.subf %add3A_251, %tanh3A_341 : vector<64x4096xf32>
    %mul3A_343 = arith.mulf %add3A_334, %sub3A_342 : vector<64x4096xf32>
    %add3A_344 = arith.addf %tanh3A_341, %mul3A_343 : vector<64x4096xf32>
    %dot_general3A_345 = arith.constant dense<0.000000e+00> : vector<192x4096xf32>
    %dot_general3A_346 = tpu.matmul %get3A_18, %add3A_344, %dot_general3A_345 {dimension_numbers = #tpu.dot_dimension_numbers<[1], [0], [0], [1], [0, 0, 1, 1], [], []>, transpose_lhs_hint = false} : vector<192x64xf32>, vector<64x4096xf32>, vector<192x4096xf32> -> vector<192x4096xf32>
    %dot_general3A_347 = arith.constant dense<0.000000e+00> : vector<192x4096xf32>
    %dot_general3A_348 = tpu.matmul %get3A_21, %add3A_295, %dot_general3A_347 {dimension_numbers = #tpu.dot_dimension_numbers<[1], [0], [0], [1], [0, 0, 1, 1], [], []>, transpose_lhs_hint = false} : vector<192x64xf32>, vector<64x4096xf32>, vector<192x4096xf32> -> vector<192x4096xf32>
    %split3A_349 = vector.extract_strided_slice %dot_general3A_346 {offsets = [0, 0], sizes = [64, 4096], strides = [1, 1]} : vector<192x4096xf32> to vector<64x4096xf32>
    %split3A_350 = vector.extract_strided_slice %dot_general3A_346 {offsets = [64, 0], sizes = [64, 4096], strides = [1, 1]} : vector<192x4096xf32> to vector<64x4096xf32>
    %split3A_351 = vector.extract_strided_slice %dot_general3A_346 {offsets = [128, 0], sizes = [64, 4096], strides = [1, 1]} : vector<192x4096xf32> to vector<64x4096xf32>
    %split3A_352 = vector.extract_strided_slice %dot_general3A_348 {offsets = [0, 0], sizes = [64, 4096], strides = [1, 1]} : vector<192x4096xf32> to vector<64x4096xf32>
    %split3A_353 = vector.extract_strided_slice %dot_general3A_348 {offsets = [64, 0], sizes = [64, 4096], strides = [1, 1]} : vector<192x4096xf32> to vector<64x4096xf32>
    %split3A_354 = vector.extract_strided_slice %dot_general3A_348 {offsets = [128, 0], sizes = [64, 4096], strides = [1, 1]} : vector<192x4096xf32> to vector<64x4096xf32>
    %slice3A_355 = vector.extract_strided_slice %get3A_24 {offsets = [0, 0], sizes = [64, 1], strides = [1, 1]} : vector<256x1xf32> to vector<64x1xf32>
    %slice3A_356 = vector.extract_strided_slice %get3A_24 {offsets = [64, 0], sizes = [64, 1], strides = [1, 1]} : vector<256x1xf32> to vector<64x1xf32>
    %slice3A_357 = vector.extract_strided_slice %get3A_24 {offsets = [128, 0], sizes = [64, 1], strides = [1, 1]} : vector<256x1xf32> to vector<64x1xf32>
    %slice3A_358 = vector.extract_strided_slice %get3A_24 {offsets = [192, 0], sizes = [64, 1], strides = [1, 1]} : vector<256x1xf32> to vector<64x1xf32>
    %add3A_359 = arith.addf %split3A_349, %split3A_352 : vector<64x4096xf32>
    %add3A_360 = vector.broadcast %slice3A_355 : vector<64x1xf32> to vector<64x4096xf32>
    %add3A_361 = arith.addf %add3A_359, %add3A_360 : vector<64x4096xf32>
    %tanh3A_362 = math.tanh %add3A_361 : vector<64x4096xf32>
    %mul3A_363 = arith.constant 5.000000e-01 : f32
    %mul3A_364 = vector.broadcast %mul3A_363 : f32 to vector<64x4096xf32>
    %mul3A_365 = arith.mulf %mul3A_364, %tanh3A_362 : vector<64x4096xf32>
    %add3A_366 = arith.constant 5.000000e-01 : f32
    %add3A_367 = vector.broadcast %add3A_366 : f32 to vector<64x4096xf32>
    %add3A_368 = arith.addf %mul3A_365, %add3A_367 : vector<64x4096xf32>
    %add3A_369 = arith.addf %split3A_350, %split3A_353 : vector<64x4096xf32>
    %add3A_370 = vector.broadcast %slice3A_356 : vector<64x1xf32> to vector<64x4096xf32>
    %add3A_371 = arith.addf %add3A_369, %add3A_370 : vector<64x4096xf32>
    %tanh3A_372 = math.tanh %add3A_371 : vector<64x4096xf32>
    %mul3A_373 = arith.constant 5.000000e-01 : f32
    %mul3A_374 = vector.broadcast %mul3A_373 : f32 to vector<64x4096xf32>
    %mul3A_375 = arith.mulf %mul3A_374, %tanh3A_372 : vector<64x4096xf32>
    %add3A_376 = arith.constant 5.000000e-01 : f32
    %add3A_377 = vector.broadcast %add3A_376 : f32 to vector<64x4096xf32>
    %add3A_378 = arith.addf %mul3A_375, %add3A_377 : vector<64x4096xf32>
    %add3A_379 = vector.broadcast %slice3A_357 : vector<64x1xf32> to vector<64x4096xf32>
    %add3A_380 = arith.addf %split3A_351, %add3A_379 : vector<64x4096xf32>
    %add3A_381 = vector.broadcast %slice3A_358 : vector<64x1xf32> to vector<64x4096xf32>
    %add3A_382 = arith.addf %split3A_354, %add3A_381 : vector<64x4096xf32>
    %mul3A_383 = arith.mulf %add3A_368, %add3A_382 : vector<64x4096xf32>
    %add3A_384 = arith.addf %add3A_380, %mul3A_383 : vector<64x4096xf32>
    %tanh3A_385 = math.tanh %add3A_384 : vector<64x4096xf32>
    %sub3A_386 = arith.subf %add3A_295, %tanh3A_385 : vector<64x4096xf32>
    %mul3A_387 = arith.mulf %add3A_378, %sub3A_386 : vector<64x4096xf32>
    %add3A_388 = arith.addf %tanh3A_385, %mul3A_387 : vector<64x4096xf32>
    %get3A_389 = arith.constant 0 : index
    %get3A_390 = arith.constant 0 : index
    %get3A_391 = arith.constant 0 : index
    %get3A_392 = vector.load %arg5[%get3A_389, %get3A_390, %get3A_391] : memref<1x6x4096xf32, #tpu.memory_space<vmem>>, vector<1x6x4096xf32>
    %reshape3A_393 = vector.shape_cast %get3A_392 : vector<1x6x4096xf32> to vector<6x4096xf32>
    %dot_general3A_394 = arith.constant dense<0.000000e+00> : vector<192x4096xf32>
    %dot_general3A_395 = tpu.matmul %get3A_9, %reshape3A_393, %dot_general3A_394 {dimension_numbers = #tpu.dot_dimension_numbers<[1], [0], [0], [1], [0, 0, 1, 1], [], []>, transpose_lhs_hint = false} : vector<192x6xf32>, vector<6x4096xf32>, vector<192x4096xf32> -> vector<192x4096xf32>
    %dot_general3A_396 = arith.constant dense<0.000000e+00> : vector<192x4096xf32>
    %dot_general3A_397 = tpu.matmul %get3A_12, %add3A_344, %dot_general3A_396 {dimension_numbers = #tpu.dot_dimension_numbers<[1], [0], [0], [1], [0, 0, 1, 1], [], []>, transpose_lhs_hint = false} : vector<192x64xf32>, vector<64x4096xf32>, vector<192x4096xf32> -> vector<192x4096xf32>
    %split3A_398 = vector.extract_strided_slice %dot_general3A_395 {offsets = [0, 0], sizes = [64, 4096], strides = [1, 1]} : vector<192x4096xf32> to vector<64x4096xf32>
    %split3A_399 = vector.extract_strided_slice %dot_general3A_395 {offsets = [64, 0], sizes = [64, 4096], strides = [1, 1]} : vector<192x4096xf32> to vector<64x4096xf32>
    %split3A_400 = vector.extract_strided_slice %dot_general3A_395 {offsets = [128, 0], sizes = [64, 4096], strides = [1, 1]} : vector<192x4096xf32> to vector<64x4096xf32>
    %split3A_401 = vector.extract_strided_slice %dot_general3A_397 {offsets = [0, 0], sizes = [64, 4096], strides = [1, 1]} : vector<192x4096xf32> to vector<64x4096xf32>
    %split3A_402 = vector.extract_strided_slice %dot_general3A_397 {offsets = [64, 0], sizes = [64, 4096], strides = [1, 1]} : vector<192x4096xf32> to vector<64x4096xf32>
    %split3A_403 = vector.extract_strided_slice %dot_general3A_397 {offsets = [128, 0], sizes = [64, 4096], strides = [1, 1]} : vector<192x4096xf32> to vector<64x4096xf32>
    %slice3A_404 = vector.extract_strided_slice %get3A_15 {offsets = [0, 0], sizes = [64, 1], strides = [1, 1]} : vector<256x1xf32> to vector<64x1xf32>
    %slice3A_405 = vector.extract_strided_slice %get3A_15 {offsets = [64, 0], sizes = [64, 1], strides = [1, 1]} : vector<256x1xf32> to vector<64x1xf32>
    %slice3A_406 = vector.extract_strided_slice %get3A_15 {offsets = [128, 0], sizes = [64, 1], strides = [1, 1]} : vector<256x1xf32> to vector<64x1xf32>
    %slice3A_407 = vector.extract_strided_slice %get3A_15 {offsets = [192, 0], sizes = [64, 1], strides = [1, 1]} : vector<256x1xf32> to vector<64x1xf32>
    %add3A_408 = arith.addf %split3A_398, %split3A_401 : vector<64x4096xf32>
    %add3A_409 = vector.broadcast %slice3A_404 : vector<64x1xf32> to vector<64x4096xf32>
    %add3A_410 = arith.addf %add3A_408, %add3A_409 : vector<64x4096xf32>
    %tanh3A_411 = math.tanh %add3A_410 : vector<64x4096xf32>
    %mul3A_412 = arith.constant 5.000000e-01 : f32
    %mul3A_413 = vector.broadcast %mul3A_412 : f32 to vector<64x4096xf32>
    %mul3A_414 = arith.mulf %mul3A_413, %tanh3A_411 : vector<64x4096xf32>
    %add3A_415 = arith.constant 5.000000e-01 : f32
    %add3A_416 = vector.broadcast %add3A_415 : f32 to vector<64x4096xf32>
    %add3A_417 = arith.addf %mul3A_414, %add3A_416 : vector<64x4096xf32>
    %add3A_418 = arith.addf %split3A_399, %split3A_402 : vector<64x4096xf32>
    %add3A_419 = vector.broadcast %slice3A_405 : vector<64x1xf32> to vector<64x4096xf32>
    %add3A_420 = arith.addf %add3A_418, %add3A_419 : vector<64x4096xf32>
    %tanh3A_421 = math.tanh %add3A_420 : vector<64x4096xf32>
    %mul3A_422 = arith.constant 5.000000e-01 : f32
    %mul3A_423 = vector.broadcast %mul3A_422 : f32 to vector<64x4096xf32>
    %mul3A_424 = arith.mulf %mul3A_423, %tanh3A_421 : vector<64x4096xf32>
    %add3A_425 = arith.constant 5.000000e-01 : f32
    %add3A_426 = vector.broadcast %add3A_425 : f32 to vector<64x4096xf32>
    %add3A_427 = arith.addf %mul3A_424, %add3A_426 : vector<64x4096xf32>
    %add3A_428 = vector.broadcast %slice3A_406 : vector<64x1xf32> to vector<64x4096xf32>
    %add3A_429 = arith.addf %split3A_400, %add3A_428 : vector<64x4096xf32>
    %add3A_430 = vector.broadcast %slice3A_407 : vector<64x1xf32> to vector<64x4096xf32>
    %add3A_431 = arith.addf %split3A_403, %add3A_430 : vector<64x4096xf32>
    %mul3A_432 = arith.mulf %add3A_417, %add3A_431 : vector<64x4096xf32>
    %add3A_433 = arith.addf %add3A_429, %mul3A_432 : vector<64x4096xf32>
    %tanh3A_434 = math.tanh %add3A_433 : vector<64x4096xf32>
    %sub3A_435 = arith.subf %add3A_344, %tanh3A_434 : vector<64x4096xf32>
    %mul3A_436 = arith.mulf %add3A_427, %sub3A_435 : vector<64x4096xf32>
    %add3A_437 = arith.addf %tanh3A_434, %mul3A_436 : vector<64x4096xf32>
    %dot_general3A_438 = arith.constant dense<0.000000e+00> : vector<192x4096xf32>
    %dot_general3A_439 = tpu.matmul %get3A_18, %add3A_437, %dot_general3A_438 {dimension_numbers = #tpu.dot_dimension_numbers<[1], [0], [0], [1], [0, 0, 1, 1], [], []>, transpose_lhs_hint = false} : vector<192x64xf32>, vector<64x4096xf32>, vector<192x4096xf32> -> vector<192x4096xf32>
    %dot_general3A_440 = arith.constant dense<0.000000e+00> : vector<192x4096xf32>
    %dot_general3A_441 = tpu.matmul %get3A_21, %add3A_388, %dot_general3A_440 {dimension_numbers = #tpu.dot_dimension_numbers<[1], [0], [0], [1], [0, 0, 1, 1], [], []>, transpose_lhs_hint = false} : vector<192x64xf32>, vector<64x4096xf32>, vector<192x4096xf32> -> vector<192x4096xf32>
    %split3A_442 = vector.extract_strided_slice %dot_general3A_439 {offsets = [0, 0], sizes = [64, 4096], strides = [1, 1]} : vector<192x4096xf32> to vector<64x4096xf32>
    %split3A_443 = vector.extract_strided_slice %dot_general3A_439 {offsets = [64, 0], sizes = [64, 4096], strides = [1, 1]} : vector<192x4096xf32> to vector<64x4096xf32>
    %split3A_444 = vector.extract_strided_slice %dot_general3A_439 {offsets = [128, 0], sizes = [64, 4096], strides = [1, 1]} : vector<192x4096xf32> to vector<64x4096xf32>
    %split3A_445 = vector.extract_strided_slice %dot_general3A_441 {offsets = [0, 0], sizes = [64, 4096], strides = [1, 1]} : vector<192x4096xf32> to vector<64x4096xf32>
    %split3A_446 = vector.extract_strided_slice %dot_general3A_441 {offsets = [64, 0], sizes = [64, 4096], strides = [1, 1]} : vector<192x4096xf32> to vector<64x4096xf32>
    %split3A_447 = vector.extract_strided_slice %dot_general3A_441 {offsets = [128, 0], sizes = [64, 4096], strides = [1, 1]} : vector<192x4096xf32> to vector<64x4096xf32>
    %slice3A_448 = vector.extract_strided_slice %get3A_24 {offsets = [0, 0], sizes = [64, 1], strides = [1, 1]} : vector<256x1xf32> to vector<64x1xf32>
    %slice3A_449 = vector.extract_strided_slice %get3A_24 {offsets = [64, 0], sizes = [64, 1], strides = [1, 1]} : vector<256x1xf32> to vector<64x1xf32>
    %slice3A_450 = vector.extract_strided_slice %get3A_24 {offsets = [128, 0], sizes = [64, 1], strides = [1, 1]} : vector<256x1xf32> to vector<64x1xf32>
    %slice3A_451 = vector.extract_strided_slice %get3A_24 {offsets = [192, 0], sizes = [64, 1], strides = [1, 1]} : vector<256x1xf32> to vector<64x1xf32>
    %add3A_452 = arith.addf %split3A_442, %split3A_445 : vector<64x4096xf32>
    %add3A_453 = vector.broadcast %slice3A_448 : vector<64x1xf32> to vector<64x4096xf32>
    %add3A_454 = arith.addf %add3A_452, %add3A_453 : vector<64x4096xf32>
    %tanh3A_455 = math.tanh %add3A_454 : vector<64x4096xf32>
    %mul3A_456 = arith.constant 5.000000e-01 : f32
    %mul3A_457 = vector.broadcast %mul3A_456 : f32 to vector<64x4096xf32>
    %mul3A_458 = arith.mulf %mul3A_457, %tanh3A_455 : vector<64x4096xf32>
    %add3A_459 = arith.constant 5.000000e-01 : f32
    %add3A_460 = vector.broadcast %add3A_459 : f32 to vector<64x4096xf32>
    %add3A_461 = arith.addf %mul3A_458, %add3A_460 : vector<64x4096xf32>
    %add3A_462 = arith.addf %split3A_443, %split3A_446 : vector<64x4096xf32>
    %add3A_463 = vector.broadcast %slice3A_449 : vector<64x1xf32> to vector<64x4096xf32>
    %add3A_464 = arith.addf %add3A_462, %add3A_463 : vector<64x4096xf32>
    %tanh3A_465 = math.tanh %add3A_464 : vector<64x4096xf32>
    %mul3A_466 = arith.constant 5.000000e-01 : f32
    %mul3A_467 = vector.broadcast %mul3A_466 : f32 to vector<64x4096xf32>
    %mul3A_468 = arith.mulf %mul3A_467, %tanh3A_465 : vector<64x4096xf32>
    %add3A_469 = arith.constant 5.000000e-01 : f32
    %add3A_470 = vector.broadcast %add3A_469 : f32 to vector<64x4096xf32>
    %add3A_471 = arith.addf %mul3A_468, %add3A_470 : vector<64x4096xf32>
    %add3A_472 = vector.broadcast %slice3A_450 : vector<64x1xf32> to vector<64x4096xf32>
    %add3A_473 = arith.addf %split3A_444, %add3A_472 : vector<64x4096xf32>
    %add3A_474 = vector.broadcast %slice3A_451 : vector<64x1xf32> to vector<64x4096xf32>
    %add3A_475 = arith.addf %split3A_447, %add3A_474 : vector<64x4096xf32>
    %mul3A_476 = arith.mulf %add3A_461, %add3A_475 : vector<64x4096xf32>
    %add3A_477 = arith.addf %add3A_473, %mul3A_476 : vector<64x4096xf32>
    %tanh3A_478 = math.tanh %add3A_477 : vector<64x4096xf32>
    %sub3A_479 = arith.subf %add3A_388, %tanh3A_478 : vector<64x4096xf32>
    %mul3A_480 = arith.mulf %add3A_471, %sub3A_479 : vector<64x4096xf32>
    %add3A_481 = arith.addf %tanh3A_478, %mul3A_480 : vector<64x4096xf32>
    %get3A_482 = arith.constant 0 : index
    %get3A_483 = arith.constant 0 : index
    %get3A_484 = arith.constant 0 : index
    %get3A_485 = vector.load %arg6[%get3A_482, %get3A_483, %get3A_484] : memref<1x6x4096xf32, #tpu.memory_space<vmem>>, vector<1x6x4096xf32>
    %reshape3A_486 = vector.shape_cast %get3A_485 : vector<1x6x4096xf32> to vector<6x4096xf32>
    %dot_general3A_487 = arith.constant dense<0.000000e+00> : vector<192x4096xf32>
    %dot_general3A_488 = tpu.matmul %get3A_9, %reshape3A_486, %dot_general3A_487 {dimension_numbers = #tpu.dot_dimension_numbers<[1], [0], [0], [1], [0, 0, 1, 1], [], []>, transpose_lhs_hint = false} : vector<192x6xf32>, vector<6x4096xf32>, vector<192x4096xf32> -> vector<192x4096xf32>
    %dot_general3A_489 = arith.constant dense<0.000000e+00> : vector<192x4096xf32>
    %dot_general3A_490 = tpu.matmul %get3A_12, %add3A_437, %dot_general3A_489 {dimension_numbers = #tpu.dot_dimension_numbers<[1], [0], [0], [1], [0, 0, 1, 1], [], []>, transpose_lhs_hint = false} : vector<192x64xf32>, vector<64x4096xf32>, vector<192x4096xf32> -> vector<192x4096xf32>
    %split3A_491 = vector.extract_strided_slice %dot_general3A_488 {offsets = [0, 0], sizes = [64, 4096], strides = [1, 1]} : vector<192x4096xf32> to vector<64x4096xf32>
    %split3A_492 = vector.extract_strided_slice %dot_general3A_488 {offsets = [64, 0], sizes = [64, 4096], strides = [1, 1]} : vector<192x4096xf32> to vector<64x4096xf32>
    %split3A_493 = vector.extract_strided_slice %dot_general3A_488 {offsets = [128, 0], sizes = [64, 4096], strides = [1, 1]} : vector<192x4096xf32> to vector<64x4096xf32>
    %split3A_494 = vector.extract_strided_slice %dot_general3A_490 {offsets = [0, 0], sizes = [64, 4096], strides = [1, 1]} : vector<192x4096xf32> to vector<64x4096xf32>
    %split3A_495 = vector.extract_strided_slice %dot_general3A_490 {offsets = [64, 0], sizes = [64, 4096], strides = [1, 1]} : vector<192x4096xf32> to vector<64x4096xf32>
    %split3A_496 = vector.extract_strided_slice %dot_general3A_490 {offsets = [128, 0], sizes = [64, 4096], strides = [1, 1]} : vector<192x4096xf32> to vector<64x4096xf32>
    %slice3A_497 = vector.extract_strided_slice %get3A_15 {offsets = [0, 0], sizes = [64, 1], strides = [1, 1]} : vector<256x1xf32> to vector<64x1xf32>
    %slice3A_498 = vector.extract_strided_slice %get3A_15 {offsets = [64, 0], sizes = [64, 1], strides = [1, 1]} : vector<256x1xf32> to vector<64x1xf32>
    %slice3A_499 = vector.extract_strided_slice %get3A_15 {offsets = [128, 0], sizes = [64, 1], strides = [1, 1]} : vector<256x1xf32> to vector<64x1xf32>
    %slice3A_500 = vector.extract_strided_slice %get3A_15 {offsets = [192, 0], sizes = [64, 1], strides = [1, 1]} : vector<256x1xf32> to vector<64x1xf32>
    %add3A_501 = arith.addf %split3A_491, %split3A_494 : vector<64x4096xf32>
    %add3A_502 = vector.broadcast %slice3A_497 : vector<64x1xf32> to vector<64x4096xf32>
    %add3A_503 = arith.addf %add3A_501, %add3A_502 : vector<64x4096xf32>
    %tanh3A_504 = math.tanh %add3A_503 : vector<64x4096xf32>
    %mul3A_505 = arith.constant 5.000000e-01 : f32
    %mul3A_506 = vector.broadcast %mul3A_505 : f32 to vector<64x4096xf32>
    %mul3A_507 = arith.mulf %mul3A_506, %tanh3A_504 : vector<64x4096xf32>
    %add3A_508 = arith.constant 5.000000e-01 : f32
    %add3A_509 = vector.broadcast %add3A_508 : f32 to vector<64x4096xf32>
    %add3A_510 = arith.addf %mul3A_507, %add3A_509 : vector<64x4096xf32>
    %add3A_511 = arith.addf %split3A_492, %split3A_495 : vector<64x4096xf32>
    %add3A_512 = vector.broadcast %slice3A_498 : vector<64x1xf32> to vector<64x4096xf32>
    %add3A_513 = arith.addf %add3A_511, %add3A_512 : vector<64x4096xf32>
    %tanh3A_514 = math.tanh %add3A_513 : vector<64x4096xf32>
    %mul3A_515 = arith.constant 5.000000e-01 : f32
    %mul3A_516 = vector.broadcast %mul3A_515 : f32 to vector<64x4096xf32>
    %mul3A_517 = arith.mulf %mul3A_516, %tanh3A_514 : vector<64x4096xf32>
    %add3A_518 = arith.constant 5.000000e-01 : f32
    %add3A_519 = vector.broadcast %add3A_518 : f32 to vector<64x4096xf32>
    %add3A_520 = arith.addf %mul3A_517, %add3A_519 : vector<64x4096xf32>
    %add3A_521 = vector.broadcast %slice3A_499 : vector<64x1xf32> to vector<64x4096xf32>
    %add3A_522 = arith.addf %split3A_493, %add3A_521 : vector<64x4096xf32>
    %add3A_523 = vector.broadcast %slice3A_500 : vector<64x1xf32> to vector<64x4096xf32>
    %add3A_524 = arith.addf %split3A_496, %add3A_523 : vector<64x4096xf32>
    %mul3A_525 = arith.mulf %add3A_510, %add3A_524 : vector<64x4096xf32>
    %add3A_526 = arith.addf %add3A_522, %mul3A_525 : vector<64x4096xf32>
    %tanh3A_527 = math.tanh %add3A_526 : vector<64x4096xf32>
    %sub3A_528 = arith.subf %add3A_437, %tanh3A_527 : vector<64x4096xf32>
    %mul3A_529 = arith.mulf %add3A_520, %sub3A_528 : vector<64x4096xf32>
    %add3A_530 = arith.addf %tanh3A_527, %mul3A_529 : vector<64x4096xf32>
    %dot_general3A_531 = arith.constant dense<0.000000e+00> : vector<192x4096xf32>
    %dot_general3A_532 = tpu.matmul %get3A_18, %add3A_530, %dot_general3A_531 {dimension_numbers = #tpu.dot_dimension_numbers<[1], [0], [0], [1], [0, 0, 1, 1], [], []>, transpose_lhs_hint = false} : vector<192x64xf32>, vector<64x4096xf32>, vector<192x4096xf32> -> vector<192x4096xf32>
    %dot_general3A_533 = arith.constant dense<0.000000e+00> : vector<192x4096xf32>
    %dot_general3A_534 = tpu.matmul %get3A_21, %add3A_481, %dot_general3A_533 {dimension_numbers = #tpu.dot_dimension_numbers<[1], [0], [0], [1], [0, 0, 1, 1], [], []>, transpose_lhs_hint = false} : vector<192x64xf32>, vector<64x4096xf32>, vector<192x4096xf32> -> vector<192x4096xf32>
    %split3A_535 = vector.extract_strided_slice %dot_general3A_532 {offsets = [0, 0], sizes = [64, 4096], strides = [1, 1]} : vector<192x4096xf32> to vector<64x4096xf32>
    %split3A_536 = vector.extract_strided_slice %dot_general3A_532 {offsets = [64, 0], sizes = [64, 4096], strides = [1, 1]} : vector<192x4096xf32> to vector<64x4096xf32>
    %split3A_537 = vector.extract_strided_slice %dot_general3A_532 {offsets = [128, 0], sizes = [64, 4096], strides = [1, 1]} : vector<192x4096xf32> to vector<64x4096xf32>
    %split3A_538 = vector.extract_strided_slice %dot_general3A_534 {offsets = [0, 0], sizes = [64, 4096], strides = [1, 1]} : vector<192x4096xf32> to vector<64x4096xf32>
    %split3A_539 = vector.extract_strided_slice %dot_general3A_534 {offsets = [64, 0], sizes = [64, 4096], strides = [1, 1]} : vector<192x4096xf32> to vector<64x4096xf32>
    %split3A_540 = vector.extract_strided_slice %dot_general3A_534 {offsets = [128, 0], sizes = [64, 4096], strides = [1, 1]} : vector<192x4096xf32> to vector<64x4096xf32>
    %slice3A_541 = vector.extract_strided_slice %get3A_24 {offsets = [0, 0], sizes = [64, 1], strides = [1, 1]} : vector<256x1xf32> to vector<64x1xf32>
    %slice3A_542 = vector.extract_strided_slice %get3A_24 {offsets = [64, 0], sizes = [64, 1], strides = [1, 1]} : vector<256x1xf32> to vector<64x1xf32>
    %slice3A_543 = vector.extract_strided_slice %get3A_24 {offsets = [128, 0], sizes = [64, 1], strides = [1, 1]} : vector<256x1xf32> to vector<64x1xf32>
    %slice3A_544 = vector.extract_strided_slice %get3A_24 {offsets = [192, 0], sizes = [64, 1], strides = [1, 1]} : vector<256x1xf32> to vector<64x1xf32>
    %add3A_545 = arith.addf %split3A_535, %split3A_538 : vector<64x4096xf32>
    %add3A_546 = vector.broadcast %slice3A_541 : vector<64x1xf32> to vector<64x4096xf32>
    %add3A_547 = arith.addf %add3A_545, %add3A_546 : vector<64x4096xf32>
    %tanh3A_548 = math.tanh %add3A_547 : vector<64x4096xf32>
    %mul3A_549 = arith.constant 5.000000e-01 : f32
    %mul3A_550 = vector.broadcast %mul3A_549 : f32 to vector<64x4096xf32>
    %mul3A_551 = arith.mulf %mul3A_550, %tanh3A_548 : vector<64x4096xf32>
    %add3A_552 = arith.constant 5.000000e-01 : f32
    %add3A_553 = vector.broadcast %add3A_552 : f32 to vector<64x4096xf32>
    %add3A_554 = arith.addf %mul3A_551, %add3A_553 : vector<64x4096xf32>
    %add3A_555 = arith.addf %split3A_536, %split3A_539 : vector<64x4096xf32>
    %add3A_556 = vector.broadcast %slice3A_542 : vector<64x1xf32> to vector<64x4096xf32>
    %add3A_557 = arith.addf %add3A_555, %add3A_556 : vector<64x4096xf32>
    %tanh3A_558 = math.tanh %add3A_557 : vector<64x4096xf32>
    %mul3A_559 = arith.constant 5.000000e-01 : f32
    %mul3A_560 = vector.broadcast %mul3A_559 : f32 to vector<64x4096xf32>
    %mul3A_561 = arith.mulf %mul3A_560, %tanh3A_558 : vector<64x4096xf32>
    %add3A_562 = arith.constant 5.000000e-01 : f32
    %add3A_563 = vector.broadcast %add3A_562 : f32 to vector<64x4096xf32>
    %add3A_564 = arith.addf %mul3A_561, %add3A_563 : vector<64x4096xf32>
    %add3A_565 = vector.broadcast %slice3A_543 : vector<64x1xf32> to vector<64x4096xf32>
    %add3A_566 = arith.addf %split3A_537, %add3A_565 : vector<64x4096xf32>
    %add3A_567 = vector.broadcast %slice3A_544 : vector<64x1xf32> to vector<64x4096xf32>
    %add3A_568 = arith.addf %split3A_540, %add3A_567 : vector<64x4096xf32>
    %mul3A_569 = arith.mulf %add3A_554, %add3A_568 : vector<64x4096xf32>
    %add3A_570 = arith.addf %add3A_566, %mul3A_569 : vector<64x4096xf32>
    %tanh3A_571 = math.tanh %add3A_570 : vector<64x4096xf32>
    %sub3A_572 = arith.subf %add3A_481, %tanh3A_571 : vector<64x4096xf32>
    %mul3A_573 = arith.mulf %add3A_564, %sub3A_572 : vector<64x4096xf32>
    %add3A_574 = arith.addf %tanh3A_571, %mul3A_573 : vector<64x4096xf32>
    %swap3A = arith.constant 0 : index
    %swap3A_575 = arith.constant 0 : index
    %swap3A_576 = vector.load %arg14[%swap3A, %swap3A_575] : memref<64x4096xf32, #tpu.memory_space<vmem>>, vector<64x4096xf32>
    tpu.vector_store %arg14[%swap3A, %swap3A_575], %add3A_530 {strides = array<i32>} : memref<64x4096xf32, #tpu.memory_space<vmem>>, vector<64x4096xf32>,
    %swap3A_577 = arith.constant 0 : index
    %swap3A_578 = arith.constant 0 : index
    %swap3A_579 = vector.load %arg15[%swap3A_577, %swap3A_578] : memref<64x4096xf32, #tpu.memory_space<vmem>>, vector<64x4096xf32>
    tpu.vector_store %arg15[%swap3A_577, %swap3A_578], %add3A_574 {strides = array<i32>} : memref<64x4096xf32, #tpu.memory_space<vmem>>, vector<64x4096xf32>,
    %eq3A_580 = arith.constant 9 : i32
    %eq3A_581 = arith.cmpi eq, %arg0, %eq3A_580 : i32
    %convert_element_type3A_582 = arith.extui %eq3A_581 : i1 to i32
    %cond3A_583 = arith.constant 0 : i32
    %cond3A_584 = arith.cmpi ne, %convert_element_type3A_582, %cond3A_583 : i32
    scf.if %cond3A_584 {
      %transpose3A = tpu.transpose %add3A_574, [1, 0] : vector<64x4096xf32> -> vector<4096x64xf32>
      %swap3A_585 = arith.constant 0 : index
      %swap3A_586 = arith.constant 0 : index
      %swap3A_587 = vector.load %arg13[%swap3A_585, %swap3A_586] : memref<4096x64xf32, #tpu.memory_space<vmem>>, vector<4096x64xf32>
      tpu.vector_store %arg13[%swap3A_585, %swap3A_586], %transpose3A {strides = array<i32>} : memref<4096x64xf32, #tpu.memory_space<vmem>>, vector<4096x64xf32>,
    } else {
    }
    return
  }
  func.func @transform_0(%arg0: i32) -> (i32, i32, i32) {
    %mul3A = arith.constant 6 : i32
    %mul3A_0 = arith.muli %mul3A, %arg0 : i32
    %c0_i32 = arith.constant 0 : i32
    %c0_i32_1 = arith.constant 0 : i32
    %c0_i32_2 = arith.constant 0 : i32
    return %mul3A_0, %c0_i32, %c0_i32_1 : i32, i32, i32
  }
  func.func @transform_1(%arg0: i32) -> (i32, i32, i32) {
    %mul3A = arith.constant 6 : i32
    %mul3A_0 = arith.muli %mul3A, %arg0 : i32
    %add3A = arith.constant 1 : i32
    %add3A_1 = arith.addi %mul3A_0, %add3A : i32
    %c0_i32 = arith.constant 0 : i32
    %c0_i32_2 = arith.constant 0 : i32
    %c0_i32_3 = arith.constant 0 : i32
    return %add3A_1, %c0_i32, %c0_i32_2 : i32, i32, i32
  }
  func.func @transform_2(%arg0: i32) -> (i32, i32, i32) {
    %mul3A = arith.constant 6 : i32
    %mul3A_0 = arith.muli %mul3A, %arg0 : i32
    %add3A = arith.constant 2 : i32
    %add3A_1 = arith.addi %mul3A_0, %add3A : i32
    %c0_i32 = arith.constant 0 : i32
    %c0_i32_2 = arith.constant 0 : i32
    %c0_i32_3 = arith.constant 0 : i32
    return %add3A_1, %c0_i32, %c0_i32_2 : i32, i32, i32
  }
  func.func @transform_3(%arg0: i32) -> (i32, i32, i32) {
    %mul3A = arith.constant 6 : i32
    %mul3A_0 = arith.muli %mul3A, %arg0 : i32
    %add3A = arith.constant 3 : i32
    %add3A_1 = arith.addi %mul3A_0, %add3A : i32
    %c0_i32 = arith.constant 0 : i32
    %c0_i32_2 = arith.constant 0 : i32
    %c0_i32_3 = arith.constant 0 : i32
    return %add3A_1, %c0_i32, %c0_i32_2 : i32, i32, i32
  }
  func.func @transform_4(%arg0: i32) -> (i32, i32, i32) {
    %mul3A = arith.constant 6 : i32
    %mul3A_0 = arith.muli %mul3A, %arg0 : i32
    %add3A = arith.constant 4 : i32
    %add3A_1 = arith.addi %mul3A_0, %add3A : i32
    %c0_i32 = arith.constant 0 : i32
    %c0_i32_2 = arith.constant 0 : i32
    %c0_i32_3 = arith.constant 0 : i32
    return %add3A_1, %c0_i32, %c0_i32_2 : i32, i32, i32
  }
  func.func @transform_5(%arg0: i32) -> (i32, i32, i32) {
    %mul3A = arith.constant 6 : i32
    %mul3A_0 = arith.muli %mul3A, %arg0 : i32
    %add3A = arith.constant 5 : i32
    %add3A_1 = arith.addi %mul3A_0, %add3A : i32
    %c0_i32 = arith.constant 0 : i32
    %c0_i32_2 = arith.constant 0 : i32
    %c0_i32_3 = arith.constant 0 : i32
    return %add3A_1, %c0_i32, %c0_i32_2 : i32, i32, i32
  }
  func.func @transform_6(%arg0: i32) -> (i32, i32) {
    %c0_i32 = arith.constant 0 : i32
    %c0_i32_0 = arith.constant 0 : i32
    %c0_i32_1 = arith.constant 0 : i32
    return %c0_i32, %c0_i32_0 : i32, i32
  }
  func.func @transform_7(%arg0: i32) -> (i32, i32) {
    %c0_i32 = arith.constant 0 : i32
    %c0_i32_0 = arith.constant 0 : i32
    %c0_i32_1 = arith.constant 0 : i32
    return %c0_i32, %c0_i32_0 : i32, i32
  }
  func.func @transform_8(%arg0: i32) -> (i32, i32) {
    %c0_i32 = arith.constant 0 : i32
    %c0_i32_0 = arith.constant 0 : i32
    %c0_i32_1 = arith.constant 0 : i32
    return %c0_i32, %c0_i32_0 : i32, i32
  }
  func.func @transform_9(%arg0: i32) -> (i32, i32) {
    %c0_i32 = arith.constant 0 : i32
    %c0_i32_0 = arith.constant 0 : i32
    %c0_i32_1 = arith.constant 0 : i32
    return %c0_i32, %c0_i32_0 : i32, i32
  }
  func.func @transform_10(%arg0: i32) -> (i32, i32) {
    %c0_i32 = arith.constant 0 : i32
    %c0_i32_0 = arith.constant 0 : i32
    %c0_i32_1 = arith.constant 0 : i32
    return %c0_i32, %c0_i32_0 : i32, i32
  }
  func.func @transform_11(%arg0: i32) -> (i32, i32) {
    %c0_i32 = arith.constant 0 : i32
    %c0_i32_0 = arith.constant 0 : i32
    %c0_i32_1 = arith.constant 0 : i32
    return %c0_i32, %c0_i32_0 : i32, i32
  }
  func.func @transform_12(%arg0: i32) -> (i32, i32) {
    %c0_i32 = arith.constant 0 : i32
    %c0_i32_0 = arith.constant 0 : i32
    %c0_i32_1 = arith.constant 0 : i32
    return %c0_i32, %c0_i32_0 : i32, i32
  }
}

module attributes {stable_mosaic.version = 14 : i64} {
  func.func @_head_body(%arg0: i32, %arg1: memref<1024x72xf32, #tpu.memory_space<vmem>>, %arg2: memref<1024x72xf32, #tpu.memory_space<vmem>>, %arg3: memref<1x1024x1xf32, #tpu.memory_space<vmem>>, %arg4: memref<1024x64xf32, #tpu.memory_space<vmem>>, %arg5: memref<4096x64xf32, #tpu.memory_space<vmem>>, %arg6: memref<64x64xf32, #tpu.memory_space<vmem>>, %arg7: memref<1x64xf32, #tpu.memory_space<vmem>>, %arg8: memref<64x64xf32, #tpu.memory_space<vmem>>, %arg9: memref<1x64xf32, #tpu.memory_space<vmem>>, %arg10: memref<64x64xf32, #tpu.memory_space<vmem>>, %arg11: memref<1x64xf32, #tpu.memory_space<vmem>>, %arg12: memref<64x64xf32, #tpu.memory_space<vmem>>, %arg13: memref<1x64xf32, #tpu.memory_space<vmem>>, %arg14: memref<64x1xf32, #tpu.memory_space<vmem>>, %arg15: memref<1x1xf32, #tpu.memory_space<vmem>>, %arg16: memref<1024x1xf32, #tpu.memory_space<vmem>>) attributes {dimension_semantics = [#tpu.dimension_semantics<arbitrary>], iteration_bounds = array<i64: 4>, scalar_prefetch = 0 : i64, scratch_operands = 0 : i64, tpu.core_type = #tpu.core_type<tc>, window_params = [{transform_indices = @transform_0, window_bounds = array<i64: 1024, 72>}, {transform_indices = @transform_1, window_bounds = array<i64: 1024, 72>}, {transform_indices = @transform_2, window_bounds = array<i64: 1, 1024, 1>}, {transform_indices = @transform_3, window_bounds = array<i64: 1024, 64>}, {pipeline_mode = #tpu.pipeline_mode<synchronous>, transform_indices = @transform_4, window_bounds = array<i64: 4096, 64>}, {pipeline_mode = #tpu.pipeline_mode<synchronous>, transform_indices = @transform_5, window_bounds = array<i64: 64, 64>}, {pipeline_mode = #tpu.pipeline_mode<synchronous>, transform_indices = @transform_6, window_bounds = array<i64: 1, 64>}, {pipeline_mode = #tpu.pipeline_mode<synchronous>, transform_indices = @transform_7, window_bounds = array<i64: 64, 64>}, {pipeline_mode = #tpu.pipeline_mode<synchronous>, transform_indices = @transform_8, window_bounds = array<i64: 1, 64>}, {pipeline_mode = #tpu.pipeline_mode<synchronous>, transform_indices = @transform_9, window_bounds = array<i64: 64, 64>}, {pipeline_mode = #tpu.pipeline_mode<synchronous>, transform_indices = @transform_10, window_bounds = array<i64: 1, 64>}, {pipeline_mode = #tpu.pipeline_mode<synchronous>, transform_indices = @transform_11, window_bounds = array<i64: 64, 64>}, {pipeline_mode = #tpu.pipeline_mode<synchronous>, transform_indices = @transform_12, window_bounds = array<i64: 1, 64>}, {pipeline_mode = #tpu.pipeline_mode<synchronous>, transform_indices = @transform_13, window_bounds = array<i64: 64, 1>}, {pipeline_mode = #tpu.pipeline_mode<synchronous>, transform_indices = @transform_14, window_bounds = array<i64: 1, 1>}, {transform_indices = @transform_15, window_bounds = array<i64: 1024, 1>}]} {
    %get3A = arith.constant 0 : index
    %get3A_0 = arith.constant 0 : index
    %get3A_1 = vector.load %arg4[%get3A, %get3A_0] : memref<1024x64xf32, #tpu.memory_space<vmem>>, vector<1024x64xf32>
    %get3A_2 = arith.constant 0 : index
    %get3A_3 = arith.constant 0 : index
    %get3A_4 = vector.load %arg5[%get3A_2, %get3A_3] : memref<4096x64xf32, #tpu.memory_space<vmem>>, vector<4096x64xf32>
    %get3A_5 = arith.constant 0 : index
    %get3A_6 = arith.constant 0 : index
    %get3A_7 = vector.load %arg1[%get3A_5, %get3A_6] : memref<1024x72xf32, #tpu.memory_space<vmem>>, vector<1024x72xf32>
    %get3A_8 = arith.constant 0 : index
    %get3A_9 = arith.constant 0 : index
    %get3A_10 = vector.load %arg2[%get3A_8, %get3A_9] : memref<1024x72xf32, #tpu.memory_space<vmem>>, vector<1024x72xf32>
    %add3A = arith.addf %get3A_7, %get3A_10 : vector<1024x72xf32>
    %slice3A = vector.extract_strided_slice %add3A {offsets = [0, 0], sizes = [1024, 64], strides = [1, 1]} : vector<1024x72xf32> to vector<1024x64xf32>
    %slice3A_11 = vector.extract_strided_slice %add3A {offsets = [0, 64], sizes = [1024, 1], strides = [1, 1]} : vector<1024x72xf32> to vector<1024x1xf32>
    %get3A_12 = arith.constant 0 : index
    %get3A_13 = arith.constant 0 : index
    %get3A_14 = arith.constant 0 : index
    %get3A_15 = vector.load %arg3[%get3A_12, %get3A_13, %get3A_14] : memref<1x1024x1xf32, #tpu.memory_space<vmem>>, vector<1x1024x1xf32>
    %get3A_16 = vector.shape_cast %get3A_15 : vector<1x1024x1xf32> to vector<1024x1xf32>
    %ne3A = arith.constant 0.000000e+00 : f32
    %ne3A_17 = vector.broadcast %ne3A : f32 to vector<1024x1xf32>
    %ne3A_18 = arith.cmpf one, %slice3A_11, %ne3A_17 : vector<1024x1xf32>
    %jit3A = arith.constant 0.000000e+00 : f32
    %broadcast_in_dim3A = vector.broadcast %jit3A : f32 to vector<1024x1xf32>
    %select_n3A = arith.select %ne3A_18, %get3A_16, %broadcast_in_dim3A : vector<1024x1xi1>, vector<1024x1xf32>
    %mul3A = vector.broadcast %select_n3A : vector<1024x1xf32> to vector<1024x64xf32>
    %mul3A_19 = arith.mulf %mul3A, %get3A_1 : vector<1024x64xf32>
    %add3A_20 = arith.addf %slice3A, %mul3A_19 : vector<1024x64xf32>
    %mul3A_21 = arith.mulf %get3A_4, %get3A_4 : vector<4096x64xf32>
    %reduce_sum3A = arith.constant dense<0.000000e+00> : vector<4096xf32>
    %reduce_sum3A_22 = vector.multi_reduction <add>, %mul3A_21, %reduce_sum3A [1] : vector<4096x64xf32> to vector<4096xf32>
    %broadcast_in_dim3A_23 = vector.shape_cast %reduce_sum3A_22 : vector<4096xf32> to vector<4096x1xf32>
    %sqrt3A = math.sqrt %broadcast_in_dim3A_23 : vector<4096x1xf32>
    %mul3A_24 = arith.mulf %add3A_20, %add3A_20 : vector<1024x64xf32>
    %reduce_sum3A_25 = arith.constant dense<0.000000e+00> : vector<1024xf32>
    %reduce_sum3A_26 = vector.multi_reduction <add>, %mul3A_24, %reduce_sum3A_25 [1] : vector<1024x64xf32> to vector<1024xf32>
    %broadcast_in_dim3A_27 = vector.shape_cast %reduce_sum3A_26 : vector<1024xf32> to vector<1024x1xf32>
    %sqrt3A_28 = math.sqrt %broadcast_in_dim3A_27 : vector<1024x1xf32>
    %add3A_29 = arith.constant 9.99999997E-7 : f32
    %add3A_30 = vector.broadcast %add3A_29 : f32 to vector<4096x1xf32>
    %add3A_31 = arith.addf %sqrt3A, %add3A_30 : vector<4096x1xf32>
    %div3A = arith.constant 1.000000e+00 : f32
    %div3A_32 = vector.broadcast %div3A : f32 to vector<4096x1xf32>
    %div3A_33 = arith.divf %div3A_32, %add3A_31 : vector<4096x1xf32>
    %mul3A_34 = vector.broadcast %div3A_33 : vector<4096x1xf32> to vector<4096x64xf32>
    %mul3A_35 = arith.mulf %get3A_4, %mul3A_34 : vector<4096x64xf32>
    %div3A_36 = arith.constant 1.000000e+00 : f32
    %div3A_37 = vector.broadcast %div3A_36 : f32 to vector<1024x1xf32>
    %div3A_38 = arith.divf %div3A_37, %sqrt3A_28 : vector<1024x1xf32>
    %mul3A_39 = vector.broadcast %div3A_38 : vector<1024x1xf32> to vector<1024x64xf32>
    %mul3A_40 = arith.mulf %add3A_20, %mul3A_39 : vector<1024x64xf32>
    %dot_general3A = arith.constant dense<0.000000e+00> : vector<1024x4096xf32>
    %dot_general3A_41 = tpu.matmul %mul3A_40, %mul3A_35, %dot_general3A {dimension_numbers = #tpu.dot_dimension_numbers<[1], [1], [0], [0], [0, 0, 1, 0], [], []>, transpose_lhs_hint = false} : vector<1024x64xf32>, vector<4096x64xf32>, vector<1024x4096xf32> -> vector<1024x4096xf32>
    %exp3A = math.exp %dot_general3A_41 : vector<1024x4096xf32>
    %dot_general3A_42 = arith.constant dense<0.000000e+00> : vector<1024x64xf32>
    %dot_general3A_43 = tpu.matmul %exp3A, %get3A_4, %dot_general3A_42 {dimension_numbers = #tpu.dot_dimension_numbers<[1], [0], [0], [1], [0, 0, 1, 1], [], []>, transpose_lhs_hint = false} : vector<1024x4096xf32>, vector<4096x64xf32>, vector<1024x64xf32> -> vector<1024x64xf32>
    %reduce_sum3A_44 = arith.constant dense<0.000000e+00> : vector<1024xf32>
    %reduce_sum3A_45 = vector.multi_reduction <add>, %exp3A, %reduce_sum3A_44 [1] : vector<1024x4096xf32> to vector<1024xf32>
    %broadcast_in_dim3A_46 = vector.shape_cast %reduce_sum3A_45 : vector<1024xf32> to vector<1024x1xf32>
    %div3A_47 = arith.constant 1.000000e+00 : f32
    %div3A_48 = vector.broadcast %div3A_47 : f32 to vector<1024x1xf32>
    %div3A_49 = arith.divf %div3A_48, %broadcast_in_dim3A_46 : vector<1024x1xf32>
    %mul3A_50 = vector.broadcast %div3A_49 : vector<1024x1xf32> to vector<1024x64xf32>
    %mul3A_51 = arith.mulf %dot_general3A_43, %mul3A_50 : vector<1024x64xf32>
    %get3A_52 = arith.constant 0 : index
    %get3A_53 = arith.constant 0 : index
    %get3A_54 = vector.load %arg6[%get3A_52, %get3A_53] : memref<64x64xf32, #tpu.memory_space<vmem>>, vector<64x64xf32>
    %dot_general3A_55 = arith.constant dense<0.000000e+00> : vector<1024x64xf32>
    %dot_general3A_56 = tpu.matmul %mul3A_51, %get3A_54, %dot_general3A_55 {dimension_numbers = #tpu.dot_dimension_numbers<[1], [0], [0], [1], [0, 0, 1, 1], [], []>, transpose_lhs_hint = false} : vector<1024x64xf32>, vector<64x64xf32>, vector<1024x64xf32> -> vector<1024x64xf32>
    %get3A_57 = arith.constant 0 : index
    %get3A_58 = arith.constant 0 : index
    %get3A_59 = vector.load %arg7[%get3A_57, %get3A_58] : memref<1x64xf32, #tpu.memory_space<vmem>>, vector<1x64xf32>
    %add3A_60 = vector.broadcast %get3A_59 : vector<1x64xf32> to vector<1024x64xf32>
    %add3A_61 = arith.addf %dot_general3A_56, %add3A_60 : vector<1024x64xf32>
    %get3A_62 = arith.constant 0 : index
    %get3A_63 = arith.constant 0 : index
    %get3A_64 = vector.load %arg8[%get3A_62, %get3A_63] : memref<64x64xf32, #tpu.memory_space<vmem>>, vector<64x64xf32>
    %dot_general3A_65 = arith.constant dense<0.000000e+00> : vector<1024x64xf32>
    %dot_general3A_66 = tpu.matmul %add3A_61, %get3A_64, %dot_general3A_65 {dimension_numbers = #tpu.dot_dimension_numbers<[1], [0], [0], [1], [0, 0, 1, 1], [], []>, transpose_lhs_hint = false} : vector<1024x64xf32>, vector<64x64xf32>, vector<1024x64xf32> -> vector<1024x64xf32>
    %get3A_67 = arith.constant 0 : index
    %get3A_68 = arith.constant 0 : index
    %get3A_69 = vector.load %arg9[%get3A_67, %get3A_68] : memref<1x64xf32, #tpu.memory_space<vmem>>, vector<1x64xf32>
    %add3A_70 = vector.broadcast %get3A_69 : vector<1x64xf32> to vector<1024x64xf32>
    %add3A_71 = arith.addf %dot_general3A_66, %add3A_70 : vector<1024x64xf32>
    %jit3A_72 = arith.constant 0.00999999977 : f32
    %ge3A = arith.constant 0.000000e+00 : f32
    %ge3A_73 = vector.broadcast %ge3A : f32 to vector<1024x64xf32>
    %ge3A_74 = arith.cmpf oge, %add3A_71, %ge3A_73 : vector<1024x64xf32>
    %mul3A_75 = vector.broadcast %jit3A_72 : f32 to vector<1024x64xf32>
    %mul3A_76 = arith.mulf %mul3A_75, %add3A_71 : vector<1024x64xf32>
    %select_n3A_77 = arith.select %ge3A_74, %add3A_71, %mul3A_76 : vector<1024x64xi1>, vector<1024x64xf32>
    %get3A_78 = arith.constant 0 : index
    %get3A_79 = arith.constant 0 : index
    %get3A_80 = vector.load %arg10[%get3A_78, %get3A_79] : memref<64x64xf32, #tpu.memory_space<vmem>>, vector<64x64xf32>
    %dot_general3A_81 = arith.constant dense<0.000000e+00> : vector<1024x64xf32>
    %dot_general3A_82 = tpu.matmul %add3A_61, %get3A_80, %dot_general3A_81 {dimension_numbers = #tpu.dot_dimension_numbers<[1], [0], [0], [1], [0, 0, 1, 1], [], []>, transpose_lhs_hint = false} : vector<1024x64xf32>, vector<64x64xf32>, vector<1024x64xf32> -> vector<1024x64xf32>
    %get3A_83 = arith.constant 0 : index
    %get3A_84 = arith.constant 0 : index
    %get3A_85 = vector.load %arg11[%get3A_83, %get3A_84] : memref<1x64xf32, #tpu.memory_space<vmem>>, vector<1x64xf32>
    %add3A_86 = vector.broadcast %get3A_85 : vector<1x64xf32> to vector<1024x64xf32>
    %add3A_87 = arith.addf %dot_general3A_82, %add3A_86 : vector<1024x64xf32>
    %sub3A = arith.subf %get3A_1, %add3A_87 : vector<1024x64xf32>
    %get3A_88 = arith.constant 0 : index
    %get3A_89 = arith.constant 0 : index
    %get3A_90 = vector.load %arg12[%get3A_88, %get3A_89] : memref<64x64xf32, #tpu.memory_space<vmem>>, vector<64x64xf32>
    %dot_general3A_91 = arith.constant dense<0.000000e+00> : vector<1024x64xf32>
    %dot_general3A_92 = tpu.matmul %sub3A, %get3A_90, %dot_general3A_91 {dimension_numbers = #tpu.dot_dimension_numbers<[1], [0], [0], [1], [0, 0, 1, 1], [], []>, transpose_lhs_hint = false} : vector<1024x64xf32>, vector<64x64xf32>, vector<1024x64xf32> -> vector<1024x64xf32>
    %get3A_93 = arith.constant 0 : index
    %get3A_94 = arith.constant 0 : index
    %get3A_95 = vector.load %arg13[%get3A_93, %get3A_94] : memref<1x64xf32, #tpu.memory_space<vmem>>, vector<1x64xf32>
    %add3A_96 = vector.broadcast %get3A_95 : vector<1x64xf32> to vector<1024x64xf32>
    %add3A_97 = arith.addf %dot_general3A_92, %add3A_96 : vector<1024x64xf32>
    %jit3A_98 = arith.constant 0.00999999977 : f32
    %ge3A_99 = arith.constant 0.000000e+00 : f32
    %ge3A_100 = vector.broadcast %ge3A_99 : f32 to vector<1024x64xf32>
    %ge3A_101 = arith.cmpf oge, %add3A_97, %ge3A_100 : vector<1024x64xf32>
    %mul3A_102 = vector.broadcast %jit3A_98 : f32 to vector<1024x64xf32>
    %mul3A_103 = arith.mulf %mul3A_102, %add3A_97 : vector<1024x64xf32>
    %select_n3A_104 = arith.select %ge3A_101, %add3A_97, %mul3A_103 : vector<1024x64xi1>, vector<1024x64xf32>
    %add3A_105 = arith.addf %select_n3A_77, %select_n3A_104 : vector<1024x64xf32>
    %get3A_106 = arith.constant 0 : index
    %get3A_107 = arith.constant 0 : index
    %get3A_108 = vector.load %arg14[%get3A_106, %get3A_107] : memref<64x1xf32, #tpu.memory_space<vmem>>, vector<64x1xf32>
    %dot_general3A_109 = arith.constant dense<0.000000e+00> : vector<1024x1xf32>
    %dot_general3A_110 = tpu.matmul %add3A_105, %get3A_108, %dot_general3A_109 {dimension_numbers = #tpu.dot_dimension_numbers<[1], [0], [0], [1], [0, 0, 1, 1], [], []>, transpose_lhs_hint = false} : vector<1024x64xf32>, vector<64x1xf32>, vector<1024x1xf32> -> vector<1024x1xf32>
    %get3A_111 = arith.constant 0 : index
    %get3A_112 = arith.constant 0 : index
    %get3A_113 = vector.load %arg15[%get3A_111, %get3A_112] : memref<1x1xf32, #tpu.memory_space<vmem>>, vector<1x1xf32>
    %add3A_114 = vector.broadcast %get3A_113 : vector<1x1xf32> to vector<1024x1xf32>
    %add3A_115 = arith.addf %dot_general3A_110, %add3A_114 : vector<1024x1xf32>
    %swap3A = arith.constant 0 : index
    %swap3A_116 = arith.constant 0 : index
    %swap3A_117 = vector.load %arg16[%swap3A, %swap3A_116] : memref<1024x1xf32, #tpu.memory_space<vmem>>, vector<1024x1xf32>
    tpu.vector_store %arg16[%swap3A, %swap3A_116], %add3A_115 {strides = array<i32>} : memref<1024x1xf32, #tpu.memory_space<vmem>>, vector<1024x1xf32>,
    return
  }
  func.func @transform_0(%arg0: i32) -> (i32, i32) {
    %c0_i32 = arith.constant 0 : i32
    %c0_i32_0 = arith.constant 0 : i32
    return %arg0, %c0_i32 : i32, i32
  }
  func.func @transform_1(%arg0: i32) -> (i32, i32) {
    %add3A = arith.constant 4 : i32
    %add3A_0 = arith.addi %arg0, %add3A : i32
    %c0_i32 = arith.constant 0 : i32
    %c0_i32_1 = arith.constant 0 : i32
    return %add3A_0, %c0_i32 : i32, i32
  }
  func.func @transform_2(%arg0: i32) -> (i32, i32, i32) {
    %c0_i32 = arith.constant 0 : i32
    %c0_i32_0 = arith.constant 0 : i32
    %c0_i32_1 = arith.constant 0 : i32
    return %arg0, %c0_i32, %c0_i32_0 : i32, i32, i32
  }
  func.func @transform_3(%arg0: i32) -> (i32, i32) {
    %c0_i32 = arith.constant 0 : i32
    %c0_i32_0 = arith.constant 0 : i32
    return %arg0, %c0_i32 : i32, i32
  }
  func.func @transform_4(%arg0: i32) -> (i32, i32) {
    %c0_i32 = arith.constant 0 : i32
    %c0_i32_0 = arith.constant 0 : i32
    %c0_i32_1 = arith.constant 0 : i32
    return %c0_i32, %c0_i32_0 : i32, i32
  }
  func.func @transform_5(%arg0: i32) -> (i32, i32) {
    %c0_i32 = arith.constant 0 : i32
    %c0_i32_0 = arith.constant 0 : i32
    %c0_i32_1 = arith.constant 0 : i32
    return %c0_i32, %c0_i32_0 : i32, i32
  }
  func.func @transform_6(%arg0: i32) -> (i32, i32) {
    %c0_i32 = arith.constant 0 : i32
    %c0_i32_0 = arith.constant 0 : i32
    %c0_i32_1 = arith.constant 0 : i32
    return %c0_i32, %c0_i32_0 : i32, i32
  }
  func.func @transform_7(%arg0: i32) -> (i32, i32) {
    %c0_i32 = arith.constant 0 : i32
    %c0_i32_0 = arith.constant 0 : i32
    %c0_i32_1 = arith.constant 0 : i32
    return %c0_i32, %c0_i32_0 : i32, i32
  }
  func.func @transform_8(%arg0: i32) -> (i32, i32) {
    %c0_i32 = arith.constant 0 : i32
    %c0_i32_0 = arith.constant 0 : i32
    %c0_i32_1 = arith.constant 0 : i32
    return %c0_i32, %c0_i32_0 : i32, i32
  }
  func.func @transform_9(%arg0: i32) -> (i32, i32) {
    %c0_i32 = arith.constant 0 : i32
    %c0_i32_0 = arith.constant 0 : i32
    %c0_i32_1 = arith.constant 0 : i32
    return %c0_i32, %c0_i32_0 : i32, i32
  }
  func.func @transform_10(%arg0: i32) -> (i32, i32) {
    %c0_i32 = arith.constant 0 : i32
    %c0_i32_0 = arith.constant 0 : i32
    %c0_i32_1 = arith.constant 0 : i32
    return %c0_i32, %c0_i32_0 : i32, i32
  }
  func.func @transform_11(%arg0: i32) -> (i32, i32) {
    %c0_i32 = arith.constant 0 : i32
    %c0_i32_0 = arith.constant 0 : i32
    %c0_i32_1 = arith.constant 0 : i32
    return %c0_i32, %c0_i32_0 : i32, i32
  }
  func.func @transform_12(%arg0: i32) -> (i32, i32) {
    %c0_i32 = arith.constant 0 : i32
    %c0_i32_0 = arith.constant 0 : i32
    %c0_i32_1 = arith.constant 0 : i32
    return %c0_i32, %c0_i32_0 : i32, i32
  }
  func.func @transform_13(%arg0: i32) -> (i32, i32) {
    %c0_i32 = arith.constant 0 : i32
    %c0_i32_0 = arith.constant 0 : i32
    %c0_i32_1 = arith.constant 0 : i32
    return %c0_i32, %c0_i32_0 : i32, i32
  }
  func.func @transform_14(%arg0: i32) -> (i32, i32) {
    %c0_i32 = arith.constant 0 : i32
    %c0_i32_0 = arith.constant 0 : i32
    %c0_i32_1 = arith.constant 0 : i32
    return %c0_i32, %c0_i32_0 : i32, i32
  }
  func.func @transform_15(%arg0: i32) -> (i32, i32) {
    %c0_i32 = arith.constant 0 : i32
    %c0_i32_0 = arith.constant 0 : i32
    return %arg0, %c0_i32 : i32, i32
  }
}

</mosaic_0001>

<sc_bundles>
// kernel: kernel.6.cloned.1.call-start
scs
__scs_entry_jumppad:
0x0: {  	(pc) =	sbr.rel $0x88, $3  }
0x1: {  	(tag) =	ssettag $0x0;
	lr =	simm.s32 $0x1  }
0x2: {  	[smem:$0x3F8E] =	sst lr;
	_ =	strace $0xD0000000  }
0x3: {  	_ = 	snop  }
0x4: {  	_ = 	snop  }
0x5: {  	_ = 	snop  }
0x6: {  	_ = 	snop  }
0x7: {  	_ = 	snop  }
__scs_overlays_trampoline_lowered:
0x8: {  	[smem:$0x3F9D] =	sst s0  }
0x9: {  	[smem:$0x3F9E] =	sst s1  }
0xa: {  	[smem:$0x3F9F] =	sst s2  }
0xb: {  	[smem:$0x3FA0] =	sst s3  }
0xc: {  	[smem:$0x3FA1] =	sst s4  }
0xd: {  	[smem:$0x3FA2] =	sst s5  }
0xe: {  	[smem:$0x3FA3] =	sst s6  }
0xf: {  	[smem:$0x3FA4] =	sst s7  }
0x10: {  	[smem:$0x3FA5] =	sst s8  }
0x11: {  	[smem:$0x3FA6] =	sst s9;
	s0 =	simm.s32 @!p0 $0x0  }
0x12: {  	s1 =	sld [smem:$0x3F8C];
	s0 =	simm.s32 @p0 $0x1  }
0x13: {  	[smem:$0x3FA7] =	sst s0;
	s0 =	simm.s32 @!p1 $0x0  }
0x14: {  	s2 =	sld [smem:$0x3F8B];
	s0 =	simm.s32 @p1 $0x1  }
0x15: {  	[smem:$0x3FA8] =	sst s0;
	s0 =	simm.s32 @!p2 $0x0  }
0x16: {  	s3 =	sld [smem:$0x3FDB];
	s0 =	simm.s32 @p2 $0x1  }
0x17: {  	s4 =	simm.s32 $0x1BF5;
	[smem:$0x3FAA] =	sst s0  }
0x18: {  	s0 =	sld [smem:$0x3F8D];
	_ =	swait.ge [sflag:s4], $0x0  }
0x19: {  	s7 =	sld [smem:$0x3F8E]  }
0x1a: {  	s8 =	sadd.s32 $0xFFFFE003, lr  }
0x1b: {  	s9 =	sadd.s32 $0xFFFFFEF7, lr;
	s5 =	simm.s32 $0xFFFFFFFF;
	p2 =	slt.u32 s8, $0xFFFFF086  }
0x1c: {  	p1 =	slt.u32 s9, $0xF7A;
	s5 =	simm.s32 @!p2 $0x0  }
0x1d: {  	s5 =	simm.s32 @p1 $0x1;
	p0 =	seq.s32 s7, s2  }
0x1e: {  	s7 =	smul.u32 @!p0 $0xF7A, s2;
	p2 =	seq.s32 @!p0 s5, $0x0  }
0x1f: {  	s9 =	smul.u32 $0xF7A, s1;
	s8 =	simm.s32 @!p0 $0x1BF5;
	p2 =	por !p2, p0  }
0x20: {  	[sflag:s8] =	ssyncset.s32 @!p0 $0xFFFFF086;
	s6 =	sadd.s32 @!p0 s3, s7;
	s7 =	simm.s32 @!p0 $0x108  }
0x21: {  	s3 =	sadd.s32 s3, s9;
	s6 =	sadd.s32 @!p0 $0x88, s6;
	s7 =	simm.s32 @p2 $0x1082  }
0x22: {  	[simem:s7], [sflag:s8] =	dma.local @!p0 [hbm:s6], $0xF7A  }
0x23: {  	s9 =	sor.u32 $0xD0000000, s2;
	s6 =	simm.s32 $0x108;
	_ =	swait.ge @!p0 [sflag:s8], $0x0  }
0x24: {  	s3 =	sadd.s32 $0x88, s3;
	s6 =	simm.s32 @!p1 $0x1082;
	[sflag:s4] =	ssyncset.s32 $0xFFFFF086  }
0x25: {  	[simem:s6], [sflag:s4] =	dma.local [hbm:s3], $0xF7A  }
0x26: {  	[smem:$0x3F8E] =	sst s1;
	(tag) =	ssettag s2;
	_ =	strace s9  }
0x27: {  	s1 =	sld [smem:$0x3F9E]  }
0x28: {  	s2 =	sld [smem:$0x3F9F]  }
0x29: {  	s4 =	sld [smem:$0x3FA1]  }
0x2a: {  	p0 =	seq.s32 s5, $0x0;
	s5 =	sld [smem:$0x3FA2]  }
0x2b: {  	s6 =	sld [smem:$0x3FA3]  }
0x2c: {  	s7 =	sld [smem:$0x3FA4]  }
0x2d: {  	s3 =	simm.s32 $0x108;
	s8 =	sld [smem:$0x3FA5]  }
0x2e: {  	s3 =	simm.s32 @!p0 $0x1082;
	s9 =	sld [smem:$0x3FA6]  }
0x2f: {  	lr =	sadd.s32 s0, s3;
	s0 =	sld [smem:$0x3F9D]  }
0x30: {  	s3 =	sld [smem:$0x3FA0]  }
0x31: {  	[smem:$0x3FA9] =	sst s10  }
0x32: {  	s10 =	sld [smem:$0x3FA7];
	_ =	sdelay $0x3  }
0x33: {  	p0 =	seq.s32 s10, $0x1;
	s10 =	sld [smem:$0x3FA9];
	_ =	sdelay $0x3  }
0x34: {  	[smem:$0x3FA9] =	sst s10  }
0x35: {  	s10 =	sld [smem:$0x3FA8];
	_ =	sdelay $0x3  }
0x36: {  	p1 =	seq.s32 s10, $0x1;
	s10 =	sld [smem:$0x3FA9];
	_ =	sdelay $0x3  }
0x37: {  	[smem:$0x3FA9] =	sst s10  }
0x38: {  	s10 =	sld [smem:$0x3FAA]  }
0x39: {  	_ = 	snop;
	(pc) =	sbr.ind lr, $3  }
0x3a: {  	_ = 	snop  }
0x3b: {  	_ = 	snop  }
0x3c: {  	p2 =	seq.s32 s10, $0x1;
	s10 =	sld [smem:$0x3FA9]  }
0x3d: {  	_ =	shalt  }
0x3e: {  	_ =	shalt  }
0x3f: {  	_ =	shalt  }
0x40: {  	_ =	shalt  }
0x41: {  	_ =	shalt  }
0x42: {  	_ =	shalt  }
0x43: {  	_ =	shalt  }
0x44: {  	_ =	shalt  }
0x45: {  	_ =	shalt  }
0x46: {  	_ =	shalt  }
0x47: {  	_ =	shalt  }
0x48: {  	_ =	shalt  }
0x49: {  	_ =	shalt  }
0x4a: {  	_ =	shalt  }
0x4b: {  	_ =	shalt  }
0x4c: {  	_ =	shalt  }
0x4d: {  	_ =	shalt  }
0x4e: {  	_ =	shalt  }
0x4f: {  	_ =	shalt  }
0x50: {  	_ =	shalt  }
0x51: {  	_ =	shalt  }
0x52: {  	_ =	shalt  }
0x53: {  	_ =	shalt  }
0x54: {  	_ =	shalt  }
0x55: {  	_ =	shalt  }
0x56: {  	_ =	shalt  }
0x57: {  	_ =	shalt  }
0x58: {  	_ =	shalt  }
0x59: {  	_ =	shalt  }
0x5a: {  	_ =	shalt  }
0x5b: {  	_ =	shalt  }
0x5c: {  	_ =	shalt  }
0x5d: {  	_ =	shalt  }
0x5e: {  	_ =	shalt  }
0x5f: {  	_ =	shalt  }
0x60: {  	_ =	shalt  }
0x61: {  	_ =	shalt  }
0x62: {  	_ =	shalt  }
0x63: {  	_ =	shalt  }
0x64: {  	_ =	shalt  }
0x65: {  	_ =	shalt  }
0x66: {  	_ =	shalt  }
0x67: {  	_ =	shalt  }
0x68: {  	_ =	shalt  }
0x69: {  	_ =	shalt  }
0x6a: {  	_ =	shalt  }
0x6b: {  	_ =	shalt  }
0x6c: {  	_ =	shalt  }
0x6d: {  	_ =	shalt  }
0x6e: {  	_ =	shalt  }
0x6f: {  	_ =	shalt  }
0x70: {  	_ =	shalt  }
0x71: {  	_ =	shalt  }
0x72: {  	_ =	shalt  }
0x73: {  	_ =	shalt  }
0x74: {  	_ =	shalt  }
0x75: {  	_ =	shalt  }
0x76: {  	_ =	shalt  }
0x77: {  	_ =	shalt  }
0x78: {  	_ =	shalt  }
0x79: {  	_ =	shalt  }
0x7a: {  	_ =	shalt  }
0x7b: {  	_ =	shalt  }
0x7c: {  	_ =	shalt  }
0x7d: {  	_ =	shalt  }
0x7e: {  	_ =	shalt  }
0x7f: {  	_ =	shalt  }
0x80: {  	_ =	shalt  }
0x81: {  	_ =	shalt  }
0x82: {  	_ =	shalt  }
0x83: {  	_ =	shalt  }
0x84: {  	_ =	shalt  }
0x85: {  	_ =	shalt  }
0x86: {  	_ =	shalt  }
0x87: {  	_ =	shalt  }
.Lfunc_end0:
.L_simem_size_0:
called_computation_lowered:
.L_overlay_start_0:
0x88: {  	s2 =	sld [smem:$0x3FD9]  }
0x89: {  	s3 =	sld [smem:$0x3FFE];
	_ =	sdelay $0x1  }
0x8a: {  	s1 =	srdreg.scid  }
0x8b: {  	s0 =	sand.u32 $0x1, s1  }
0x8c: {  	s17 =	sshll.u32 s0, $0xA;
	s2 =	sadd.s32 s3, s2  }
0x8d: {  	s2 =	sadd.s32 s2, s17  }
0x8e: {  	[smem:$0x3FB5] =	sst s2  }
0x8f: {  	_ = 	snop  }
0x90: {  	s2 =	sld [smem:$0x3FD0];
	(tm) =	ssettm $0x1  }
0x91: {  	s18 =	sld [smem:$0x3FFB];
	_ =	sdelay $0x3  }
0x92: {  	_ =	strace s18  }
0x93: {  	s3 =	sld [smem:$0x3FFC];
	_ =	sdelay $0x3  }
0x94: {  	_ =	strace s3  }
0x95: {  	s3 =	sld [smem:$0x3FFD];
	_ =	sdelay $0x3  }
0x96: {  	_ =	strace s3  }
0x97: {  	_ =	strace $0x8FFFFFFF  }
0x98: {  	s19 =	sld [smem:$0x3FDB];
	_ =	sdelay $0x1  }
0x99: {  	s4 =	simm.s32 $_scs_section_size  }
0x9a: {  	s5 =	simm.s32 $_size__tile_overlayer_lowered;
	s6 =	simm.s32 $_tile_overlayer_lowered  }
0x9b: {  	s22 =	simm.s32 $0x1BFF;
	s21 =	sshll.u32 s6, $0x1;
	s3 =	sadd.s32 s4, s19  }
0x9c: {  	s7 =	simm.s32 $0x0;
	s20 =	sshll.u32 s5, $0x1;
	s5 =	sadd.s32 s21, s3  }
0x9d: {  	[timem:s7], [sflag:s22] =	dma.local [hbm:s5], s20  }
0x9e: {  	_ =	swait.ge [sflag:s22], s20  }
0x9f: {  	s4 =	ssub.s32 $0x0, s20;
	[sflag:s22] =	ssyncset.done $0x0  }
0xa0: {  	[sflag:s22] =	ssyncadd.s32 s4;
	_ =	sdelay $0x1  }
0xa1: {  	s23 =	simm.s32 $0x1B8B  }
0xa2: {  	_ =	swait.ge [sflag:s23], $0x1  }
0xa3: {  	[sflag:s23] =	ssyncset.done $0x0  }
0xa4: {  	s25 =	simm.s32 $0x1B8E;
	s24 =	sld [smem:$0x3FFE];
	[sflag:s23] =	ssyncadd.s32 $0xFFFFFFFF  }
0xa5: {  	s26 =	simm.s32 $execute0_lowered;
	[smem:$0x3FD2] =	sst s25  }
0xa6: {  	s5 =	sshll.u32 s26, $0x1;
	_ =	strace $0x80000046;
	[dreg:$0x1] =	wrdreg $0xFFFFFFFF  }
0xa7: {  	s28 =	simm.s32 $_size_execute0_lowered;
	s3 =	sadd.s32 s3, s5;
	[dreg:$0x0] =	wrdreg $0x0  }
0xa8: {  	s5 =	sshll.u32 s28, $0x1;
	[dreg:$0x2] =	wrdreg s3  }
0xa9: {  	[dreg:$0x3] =	wrdreg s5  }
0xaa: {  	[dreg:$0x4] =	wrdreg $0xC0  }
0xab: {  	_ =	task [dreg:s7], $0x5FFFF  }
0xac: {  	[dreg:$0x1] =	wrdreg $0xFFFFFFFF  }
0xad: {  	[dreg:$0x0] =	wrdreg $0x60  }
0xae: {  	[dreg:$0x2] =	wrdreg s2  }
0xaf: {  	[dreg:$0x3] =	wrdreg s24  }
0xb0: {  	[dreg:$0x4] =	wrdreg $0x0  }
0xb1: {  	[dreg:$0x5] =	wrdreg $0x9  }
0xb2: {  	_ =	task.clear_ibuf [dreg:s7], $0x6FFFF;
	_ =	strace $0x90000046  }
0xb3: {  	s29 =	simm.s32 $0x9;
	_ =	strace $0x80000048  }
0xb4: {  	_ =	swait.ge [sflag:s29], $0x1  }
0xb5: {  	[sflag:s29] =	ssyncadd.s32 $0xFFFFFFFF  }
0xb6: {  	_ =	strace $0x90000048  }
0xb7: {  	_ =	sfence  }
0xb8: {  	s30 =	sld [smem:$0x0];
	_ =	sdelay $0x2  }
0xb9: {  	s31 =	sshll.u32 s1, $0xD;
	s1 =	sshrl.u32 s1, $0x2  }
0xba: {  	s3 =	sand.u32 $0x4000, s31;
	s1 =	sadd.s32 s1, s30  }
0xbb: {  	s0 =	sor.u32 s3, s0;
	s1 =	sshll.u32 s1, $0x11  }
0xbc: {  	s0 =	sor.u32 s1, s0  }
0xbd: {  	s0 =	sadd.s32 $0x8F2B, s0  }
0xbe: {  	[sflag:s0] =	ssyncadd.remote.s32 $0x1  }
0xbf: {  	_ =	sfence.sel $0xFFFF  }
0xc0: {  	[dreg:$0x0] =	wrdreg $0xFFFFFFFF;
	(pc) =	sbr.abs _section_cstart, $3  }
0xc1: {  	[dreg:$0x1] =	wrdreg $0xFFFFFFFF  }
0xc2: {  	_ =	task.clear_ibuf [dreg:s7], $0x2FFFF;
	_ =	strace $0x9FFFFFFF  }
0xc3: {  	(tm) =	ssettm $0x7FFFFFFF  }
tec
execute0_lowered:
.L_overlay_start_1:
0x0: {  	(tag) =	ssettag $0x1  }
0x1: {  	s8 =	rddreg [dreg:$0x0]  }
0x2: {  	s10 =	rddreg [dreg:$0x1]  }
0x3: {  	s2 =	rddreg [dreg:$0x2]  }
0x4: {  	s0 =	rddreg [dreg:$0x3]  }
0x5: {  	s3 =	simm.s32 $0x0;
	s1 =	stileid.u32;
	s4 =	srdreg.scid  }
0x6: {  	[smem:$0x7FF] =	sst s3;
	s5 =	sshll.u32 s1, $0xC;
	s13 =	sand.u32 $0x1, s4  }
0x7: {  	s29 =	sshll.u32 s1, $0xF;
	s30 =	sshll.u32 s1, $0x6;
	_ =	strace $0x80000047  }
0x8: {  	s14 =	sadd.s32 s5, s10;
	s6 =	sadd.s32 s29, s2;
	s5 =	sor.u32 $0x1C01, s30  }
0x9: {  	s4 =	sadd.s32 $0x12400, s14;
	s7 =	sshrl.u32 s6, $0x3;
	s6 =	simm.s32 $0x1  }
0xa: {  	[spmem:s7], [sflag:s5] =	dma.local [hbm:s4], $0x1000  }
0xb: {  	s11 =	sshll.u32 s1, $0x7;
	s9 =	sshll.u32 s13, $0xB;
	_ =	swait.ge [sflag:s6], $0x1000  }
0xc: {  	s11 =	sor.u32 s11, s9;
	[sflag:s6] =	ssyncset.done $0x0  }
0xd: {  	s9 =	sshrl.u32 s11, $0x3;
	[sflag:s6] =	ssyncadd.s32 $0xFFFFF000  }
0xe: {  	s8 =	sadd.s32 s8, s9;
	s9 =	simm.s32 $0x4800;
	[bflag:$0x0] =	sbarrier.arrive $0xFFFF  }
0xf: {  	[tilespmem:s9], [sflag:$0x1] =	stream.linear.gather [hbm4b:s8+s3], $0x80, $0x38;
	[tilespmem:$0x8880] =	vst v63  }
0x10: {  	s11 =	sshll.u32 s11, $0x4;
	_ =	swait.ge [sflag:s6], $0x80  }
0x11: {  	s10 =	sadd.s32 s11, s10;
	[sflag:s6] =	ssyncset.done $0x0  }
0x12: {  	s11 =	simm.s32 $0x4880;
	s10 =	sadd.s32 $0x2400, s10;
	[sflag:s6] =	ssyncadd.s32 $0xFFFFFF80  }
0x13: {  	[tilespmem:s11], [sflag:$0x1] =	stream.linear.gather [hbm4b:s10+s3], $0x4000, $0x38;
	[tilespmem:$0x8880] =	vst v63  }
0x14: {  	s15 =	ssub.s32 $0x2, s13;
	_ =	swait.ge [sflag:s6], $0x4000  }
0x15: {  	s16 =	sshrl.u32 s15, $0x1;
	[sflag:s6] =	ssyncset.done $0x0  }
0x16: {  	s12 =	simm.s32 $0x80;
	s15 =	ssub.s32 s15, s16;
	[sflag:s6] =	ssyncadd.s32 $0xFFFFC000  }
0x17: {  	[spmem:s2] =	stream.indirect.scatter.add.f32 [tilespmem:s11], [sflag:$0x1], $0x48, s9, s12, $0xb8;
	[tilespmem:$0x8880] =	vst v63  }
0x18: {  	s31 =	smax.u32 s15, $0x1;
	_ =	swait.ge [sflag:s6], $0x2400  }
0x19: {  	s13 =	sshll.u32 s13, $0x10;
	p0 =	sne.s32 s31, $0x1;
	[sflag:s6] =	ssyncset.done $0x0  }
.Ltmp0:
0x1a: {  	s13 =	sadd.s32 s13, s14;
	[sflag:s6] =	ssyncadd.s32 $0xFFFFDC00;
	(pc) =	sbr.rel @!p0 .LBB2_2-.Ltmp0, $4  }
0x1b: {  	s13 =	sadd.s32 $0x22400, s13;
	[bflag:$0x0] =	sbarrier.arrive $0xFFFF  }
0x1c: {  	[hbm:s13], [sflag:s5] =	dma.local [spmem:s7], $0x1000  }
0x1d: {  	_ =	swait.ge [sflag:s6], $0x1000  }
0x1e: {  	s14 =	sadd.s32 $0xFFFFFFFF, s31;
	[sflag:s6] =	ssyncset.done $0x0  }
.LBB2_1:
0x1f: {  	p0 =	sne.s32 s14, $0x1;
	s14 =	sadd.s32 $0xFFFFFFFF, s14;
	[sflag:s6] =	ssyncadd.s32 $0xFFFFF000  }
0x20: {  	[spmem:s7], [sflag:s5] =	dma.local [hbm:s4], $0x1000  }
0x21: {  	_ =	swait.ge [sflag:s6], $0x1000  }
0x22: {  	[sflag:s6] =	ssyncset.done $0x0  }
0x23: {  	[sflag:s6] =	ssyncadd.s32 $0xFFFFF000  }
0x24: {  	[bflag:$0x0] =	sbarrier.arrive $0xFFFF  }
0x25: {  	[tilespmem:s9], [sflag:$0x1] =	stream.linear.gather [hbm4b:s8+s3], $0x80, $0x38;
	[tilespmem:$0x8880] =	vst v63  }
0x26: {  	_ =	swait.ge [sflag:s6], $0x80  }
0x27: {  	[sflag:s6] =	ssyncset.done $0x0  }
0x28: {  	[sflag:s6] =	ssyncadd.s32 $0xFFFFFF80  }
0x29: {  	[tilespmem:s11], [sflag:$0x1] =	stream.linear.gather [hbm4b:s10+s3], $0x4000, $0x38;
	[tilespmem:$0x8880] =	vst v63  }
0x2a: {  	_ =	swait.ge [sflag:s6], $0x4000  }
0x2b: {  	[sflag:s6] =	ssyncset.done $0x0  }
0x2c: {  	[sflag:s6] =	ssyncadd.s32 $0xFFFFC000  }
0x2d: {  	[spmem:s2] =	stream.indirect.scatter.add.f32 [tilespmem:s11], [sflag:$0x1], $0x48, s9, s12, $0xb8;
	[tilespmem:$0x8880] =	vst v63  }
0x2e: {  	_ =	swait.ge [sflag:s6], $0x2400  }
0x2f: {  	[sflag:s6] =	ssyncset.done $0x0  }
.Ltmp1:
0x30: {  	[sflag:s6] =	ssyncadd.s32 $0xFFFFDC00;
	(pc) =	sbr.rel @p0 .LBB2_1-.Ltmp1, $4  }
0x31: {  	[bflag:$0x0] =	sbarrier.arrive $0xFFFF  }
0x32: {  	[hbm:s13], [sflag:s5] =	dma.local [spmem:s7], $0x1000  }
0x33: {  	_ =	swait.ge [sflag:s6], $0x1000  }
0x34: {  	[sflag:s6] =	ssyncset.done $0x0  }
.LBB2_2:
0x35: {  	[sflag:s6] =	ssyncadd.s32 $0xFFFFF000  }
0x36: {  	_ =	sfence.sel $0x180000  }
0x37: {  	[bflag:$0x0] =	sbarrier.arrive $0xFFFF  }
0x38: {  	p0 =	sne.s32 s1, $0x0;
	_ =	strace $0x90000047  }
0x39: {  	s0 =	sadd.s32 @!p0 $0x100000, s0;
	[bflag:$0x2] =	sbarrier.arrive $0xFFFF  }
0x3a: {  	[sflag:s0] =	ssyncadd.tile.s32 @!p0 $0x1;
	_ =	shalt  }
.Lfunc_end2:
_tile_overlayer_lowered:
.L_overlay_start_2:
0x3b: {  	(tag) =	ssettag $0x2  }
0x3c: {  	s0 =	rddreg [dreg:$0x0];
	s2 =	stileid.u32  }
0x3d: {  	s1 =	rddreg [dreg:$0x1];
	p0 =	sne.s32 s2, $0x0  }
0x3e: {  	s3 =	rddreg [dreg:$0x2];
	[bflag:$0x3] =	sbarrier.arrive $0xFFFF;
	s2 =	simm.s32 @!p0 $0x1C01  }
0x3f: {  	[timem:s3], [sflag:s2] =	dma.local @!p0 [hbm:s0], s1  }
0x40: {  	s0 =	simm.s32 @!p0 $0x1  }
0x41: {  	_ =	swait.ge @!p0 [sflag:s0], s1  }
0x42: {  	s1 =	ssub.s32 @!p0 $0x0, s1;
	[sflag:s0] =	ssyncset.done @!p0 $0x0  }
0x43: {  	[sflag:s0] =	ssyncadd.s32 @!p0 s1  }
0x44: {  	[bflag:$0x3] =	sbarrier.arrive $0xFFFF  }
0x45: {  	_ =	shalt  }

</sc_bundles>
